<compile_context>
chip_gen: v7x
topology: tpu7x:2x2x1
jax: 0.10.2.dev20260603
libtpu: 0.0.44.dev20260713+nightly
codegen_flags: <defaults>
</compile_context>

<pallas_src>
import functools
import jax
import jax.numpy as jnp
from jax import lax
from jax.experimental import pallas as pl
from jax.experimental.pallas import tpu as pltpu
from jax.experimental.pallas import tpu_sc as plsc

N = 10000
NP = 10240
E = 320000
IN_DIM = 128
H1 = 32
H2 = 64
ACT = 64

NC, NS = 2, 16
NW = NC * NS
CH = 128
NCH_W = 80
NCHT = NW * NCH_W + 2
EPA = NCHT * CH
RPS = NP // NS

_MESH = plsc.VectorSubcoreMesh(core_axis_name="c", subcore_axis_name="s")
_SC_PARAMS = pltpu.CompilerParams(use_tc_tiling_on_sc=False)



@functools.partial(
    pl.kernel,
    out_type=jax.ShapeDtypeStruct((NC, NP), jnp.float32),
    mesh=_MESH,
    compiler_params=_SC_PARAMS,
    scratch_types=[
        pltpu.VMEM((NCH_W, CH), jnp.int32),
        pltpu.VMEM((CH,), jnp.float32),
        pltpu.VMEM_SHARED((NP,), jnp.float32),
    ],
)
def _sc_deg(dst_hbm, zeros_hbm, ones_hbm, out_hbm, dst_all, ones_v, acc_sh):
    c = lax.axis_index("c")
    s = lax.axis_index("s")
    w = s * NC + c

    pltpu.sync_copy(zeros_hbm.at[pl.ds(s * RPS, RPS)],
                    acc_sh.at[pl.ds(s * RPS, RPS)])
    pltpu.sync_copy(dst_hbm.at[pl.ds(w * NCH_W, NCH_W)], dst_all)
    pltpu.sync_copy(ones_hbm, ones_v)
    plsc.subcore_barrier()

    def body(i, carry):
        pltpu.sync_copy(ones_v, acc_sh.at[dst_all.at[i]], add=True)
        return carry

    lax.fori_loop(0, NCH_W, body, 0)
    plsc.subcore_barrier()
    pltpu.sync_copy(acc_sh.at[pl.ds(s * RPS, RPS)],
                    out_hbm.at[c, pl.ds(s * RPS, RPS)])



def _make_sc_agg(F):
    @functools.partial(
        pl.kernel,
        out_type=jax.ShapeDtypeStruct((NC, NP, F), jnp.float32),
        mesh=_MESH,
        compiler_params=_SC_PARAMS,
        scratch_types=[
            pltpu.VMEM((NCH_W + 2, CH), jnp.int32),
            pltpu.VMEM((NCH_W, CH), jnp.int32),
            pltpu.VMEM((CH, F), jnp.float32),
            pltpu.VMEM((CH, F), jnp.float32),
            pltpu.VMEM_SHARED((NP, F), jnp.float32),
            pltpu.SemaphoreType.DMA,
            pltpu.SemaphoreType.DMA,
        ],
    )
    def _sc_agg(g_hbm, src_hbm, dst_hbm, zeros_hbm, out_hbm,
                src_all, dst_all, rows_a, rows_b, acc_sh, sem_a, sem_b):
        c = lax.axis_index("c")
        s = lax.axis_index("s")
        w = s * NC + c

        rr = pl.ds(s * RPS, RPS)

        @pl.when(c == 0)
        def _():
            pltpu.sync_copy(g_hbm.at[rr], acc_sh.at[rr])

        @pl.when(c == 1)
        def _():
            pltpu.sync_copy(zeros_hbm.at[rr], acc_sh.at[rr])

        base = w * NCH_W
        pltpu.sync_copy(src_hbm.at[pl.ds(base, NCH_W + 2)], src_all)
        pltpu.sync_copy(dst_hbm.at[pl.ds(base, NCH_W)], dst_all)
        plsc.subcore_barrier()

        pltpu.async_copy(g_hbm.at[src_all.at[0]], rows_a, sem_a)
        pltpu.async_copy(g_hbm.at[src_all.at[1]], rows_b, sem_b)

        def body(j, carry):
            ci = 2 * j
            pltpu.make_async_copy(g_hbm.at[pl.ds(0, CH)], rows_a, sem_a).wait()
            pltpu.sync_copy(rows_a, acc_sh.at[dst_all.at[ci]], add=True)
            pltpu.async_copy(g_hbm.at[src_all.at[ci + 2]], rows_a, sem_a)
            pltpu.make_async_copy(g_hbm.at[pl.ds(0, CH)], rows_b, sem_b).wait()
            pltpu.sync_copy(rows_b, acc_sh.at[dst_all.at[ci + 1]], add=True)
            pltpu.async_copy(g_hbm.at[src_all.at[ci + 3]], rows_b, sem_b)
            return carry

        lax.fori_loop(0, NCH_W // 2, body, 0)
        pltpu.make_async_copy(g_hbm.at[pl.ds(0, CH)], rows_a, sem_a).wait()
        pltpu.make_async_copy(g_hbm.at[pl.ds(0, CH)], rows_b, sem_b).wait()

        plsc.subcore_barrier()
        pltpu.sync_copy(acc_sh.at[pl.ds(s * RPS, RPS)],
                        out_hbm.at[c, pl.ds(s * RPS, RPS)])

    return _sc_agg


_sc_agg1 = _make_sc_agg(H1)
_sc_agg2 = _make_sc_agg(H2)



def _tc_g1_body(deg_ref, x_ref, w1_ref, g1_ref, dinv_ref):
    deg = deg_ref[0, :] + deg_ref[1, :] + 1.0
    dinv = lax.rsqrt(deg)
    dinv_ref[...] = dinv
    h = jnp.dot(x_ref[...], w1_ref[...], preferred_element_type=jnp.float32)
    g1_ref[:N, :] = h * dinv[:N, None]
    g1_ref[N:, :] = jnp.zeros((NP - N, H1), jnp.float32)


def _tc_g2_body(acc_ref, dinv_ref, b1_ref, w2_ref, g2_ref):
    dinv = dinv_ref[...][:N]
    a = acc_ref[0, :N, :] + acc_ref[1, :N, :]
    h = jnp.maximum(a * dinv[:, None] + b1_ref[...][None, :], 0.0)
    g2_ref[:N, :] = jnp.dot(h, w2_ref[...],
                            preferred_element_type=jnp.float32) * dinv[:, None]
    g2_ref[N:, :] = jnp.zeros((NP - N, H2), jnp.float32)


def _tc_h2_body(acc_ref, dinv_ref, b2_ref, h2_ref):
    dinv = dinv_ref[...][:N]
    a = acc_ref[0, :N, :] + acc_ref[1, :N, :]
    h2_ref[...] = jnp.maximum(a * dinv[:, None] + b2_ref[...][None, :], 0.0)


BK = 25600
KSTEPS = (N * H2) // BK


def _tc_head_body(a_ref, w_ref, bout_ref, out_ref):
    k = pl.program_id(0)
    part = jnp.dot(a_ref[...], w_ref[...], preferred_element_type=jnp.float32)

    @pl.when(k == 0)
    def _():
        out_ref[...] = part

    @pl.when(k > 0)
    def _():
        out_ref[...] += part

    @pl.when(k == KSTEPS - 1)
    def _():
        logits = out_ref[...] + bout_ref[...]
        m = jnp.max(logits, axis=-1, keepdims=True)
        e = jnp.exp(logits - m)
        out_ref[...] = e / jnp.sum(e, axis=-1, keepdims=True)



def kernel(x, ei, W1, b1, W2, b2, Wout, bout):
    src = ei[0].astype(jnp.int32)
    dst = ei[1].astype(jnp.int32)
    npad = EPA - E
    pad_idx = N + (jnp.arange(npad, dtype=jnp.int32) % (NP - N))
    src_p = jnp.concatenate([src, pad_idx]).reshape(NCHT, CH)
    dst_p = jnp.concatenate([dst, pad_idx]).reshape(NCHT, CH)

    zeros_np = jnp.zeros((NP,), jnp.float32)
    ones_ch = jnp.ones((CH,), jnp.float32)

    degp = _sc_deg(dst_p, zeros_np, ones_ch)

    g1, dinv = pl.pallas_call(
        _tc_g1_body,
        out_shape=[jax.ShapeDtypeStruct((NP, H1), jnp.float32),
                   jax.ShapeDtypeStruct((NP,), jnp.float32)],
    )(degp, x, W1)

    zeros_1 = jnp.zeros((NP, H1), jnp.float32)
    acc1 = _sc_agg1(g1, src_p, dst_p, zeros_1)

    g2 = pl.pallas_call(
        _tc_g2_body,
        out_shape=jax.ShapeDtypeStruct((NP, H2), jnp.float32),
    )(acc1, dinv, b1, W2)

    zeros_2 = jnp.zeros((NP, H2), jnp.float32)
    acc2 = _sc_agg2(g2, src_p, dst_p, zeros_2)

    h2 = pl.pallas_call(
        _tc_h2_body,
        out_shape=jax.ShapeDtypeStruct((N, H2), jnp.float32),
    )(acc2, dinv, b2)

    flat = h2.reshape(1, N * H2)
    probs = pl.pallas_call(
        _tc_head_body,
        grid=(KSTEPS,),
        in_specs=[
            pl.BlockSpec((1, BK), lambda k: (0, k)),
            pl.BlockSpec((BK, ACT), lambda k: (k, 0)),
            pl.BlockSpec((1, ACT), lambda k: (0, 0)),
        ],
        out_specs=pl.BlockSpec((1, ACT), lambda k: (0, 0)),
        out_shape=jax.ShapeDtypeStruct((1, ACT), jnp.float32),
    )(flat, Wout, bout.reshape(1, ACT))

    return probs

# --- scband reference (transcript-rebuilt; emitter-appended) ---
"""Pipeline reference for scband-actor-network-8031588844233 (READ-ONLY COPY).

The authoritative reference and input builder live on the scoring server;
editing this copy changes nothing except your own understanding.
"""

import jax, jax.numpy as jnp
import numpy as np

N_NODES = 10000
IN_DIM = 128
H1 = 32
H2 = 64
ACTION_SPACE = 64
N_EDGES = 320000


def gcn_conv(x, src, dst, W, b):
    # PyG-style GCNConv: add self loops, symmetric normalization, linear, scatter-add
    N = x.shape[0]
    loop = jnp.arange(N, dtype=src.dtype)
    s = jnp.concatenate([src, loop])
    d = jnp.concatenate([dst, loop])
    h = x @ W
    deg = jnp.zeros((N,), dtype=h.dtype).at[d].add(1.0)
    dinv = jnp.where(deg > 0, jax.lax.rsqrt(deg), 0.0)
    norm = dinv[s] * dinv[d]
    msg = h[s] * norm[:, None]
    out = jnp.zeros((N, h.shape[1]), dtype=h.dtype).at[d].add(msg)
    return out + b


def setup_inputs(seed: int = 0) -> dict:
    key = jax.random.key(seed)
    ks = jax.random.split(key, 9)
    x = jax.random.normal(ks[0], (N_NODES, IN_DIM), dtype=jnp.float32)
    ei = jax.random.randint(ks[1], (2, N_EDGES), 0, N_NODES, dtype=jnp.int64)
    W1 = jax.random.normal(ks[2], (IN_DIM, H1), dtype=jnp.float32) * (1.0 / np.sqrt(IN_DIM))
    b1 = jnp.zeros((H1,), dtype=jnp.float32)
    W2 = jax.random.normal(ks[3], (H1, H2), dtype=jnp.float32) * (1.0 / np.sqrt(H1))
    b2 = jnp.zeros((H2,), dtype=jnp.float32)
    Wout = jax.random.normal(ks[4], (H2 * N_NODES, ACTION_SPACE), dtype=jnp.float32) * (1.0 / np.sqrt(H2 * N_NODES))
    bout = jnp.zeros((ACTION_SPACE,), dtype=jnp.float32)
    return {"x": x, "ei": ei, "W1": W1, "b1": b1, "W2": W2, "b2": b2, "Wout": Wout, "bout": bout}


def reference(x, ei, W1, b1, W2, b2, Wout, bout):
    src, dst = ei[0], ei[1]
    h = jax.nn.relu(gcn_conv(x, src, dst, W1, b1))
    h = jax.nn.relu(gcn_conv(h, src, dst, W2, b2))
    nbatches = h.shape[0] // N_NODES
    flat = h.reshape(nbatches, N_NODES * h.shape[1])
    logits = flat @ Wout + bout
    probs = jax.nn.softmax(logits, axis=-1)  # Categorical(dist) probs
    return probs

if __name__ == "__main__":
    import jax
    _d = setup_inputs()
    print(jax.jit(kernel)(*tuple(_d.values())))

</pallas_src>

<mosaic_0001>
#map = affine_map<(d0, d1) -> (0, 0)>
#map1 = affine_map<(d0, d1) -> (0)>
module attributes {stable_mosaic.version = 14 : i64} {
  func.func @_sc_deg(%arg0: i32, %arg1: i32, %arg2: memref<2562x128xi32, #tpu.memory_space<hbm>>, %arg3: memref<10240xf32, #tpu.memory_space<hbm>>, %arg4: memref<128xf32, #tpu.memory_space<hbm>>, %arg5: memref<2x10240xf32, #tpu.memory_space<hbm>>, %arg6: memref<80x128xi32, #tpu.memory_space<vmem>>, %arg7: memref<128xf32, #tpu.memory_space<vmem>>, %arg8: memref<10240xf32, #tpu.memory_space<vmem_shared>>) attributes {dimension_semantics = [#tpu.dimension_semantics<core_parallel>, #tpu.dimension_semantics<subcore_parallel>], iteration_bounds = array<i64: 2, 16>, scalar_prefetch = 0 : i64, scratch_operands = 3 : i64, tpu.core_type = #tpu.core_type<sc_vector_subcore>, window_params = [{transform_indices = #map}, {transform_indices = #map1}, {transform_indices = #map1}, {transform_indices = #map}]} {
    %mul3A = arith.constant 2 : i32
    %mul3A_0 = arith.muli %arg1, %mul3A : i32
    %add3A = arith.addi %mul3A_0, %arg0 : i32
    %mul3A_1 = arith.constant 640 : i32
    %mul3A_2 = arith.muli %arg1, %mul3A_1 : i32
    %mul3A_3 = arith.constant 640 : i32
    %mul3A_4 = arith.muli %arg1, %mul3A_3 : i32
    "tpu.region"() ({
      %run_scoped3A = tpu.sem_alloc : memref<!tpu.dma_semaphore, #tpu.memory_space<semaphore_mem>>
      %dma_start3A = tpu.memref_slice %arg8[%mul3A_4] : memref<10240xf32, #tpu.memory_space<vmem_shared>> -> memref<640xf32, #tpu.memory_space<vmem_shared>>
      %dma_start3A_17 = tpu.memref_slice %arg3[%mul3A_2] : memref<10240xf32, #tpu.memory_space<hbm>> -> memref<640xf32, #tpu.memory_space<hbm>>
      tpu.enqueue_dma source(%dma_start3A_17 : memref<640xf32, #tpu.memory_space<hbm>>) target(%dma_start3A : memref<640xf32, #tpu.memory_space<vmem_shared>>) target_semaphore(%run_scoped3A : memref<!tpu.dma_semaphore, #tpu.memory_space<semaphore_mem>>)
      %dma_wait3A = tpu.memref_slice %arg8[%mul3A_4] : memref<10240xf32, #tpu.memory_space<vmem_shared>> -> memref<640xf32, #tpu.memory_space<vmem_shared>>
      %dma_wait3A_18 = tpu.memref_slice %arg3[%mul3A_2] : memref<10240xf32, #tpu.memory_space<hbm>> -> memref<640xf32, #tpu.memory_space<hbm>>
      tpu.wait_dma2 semaphore(%run_scoped3A : memref<!tpu.dma_semaphore, #tpu.memory_space<semaphore_mem>>) src(%dma_wait3A_18 : memref<640xf32, #tpu.memory_space<hbm>>) dst(%dma_wait3A : memref<640xf32, #tpu.memory_space<vmem_shared>>)
      tpu.yield
    }) : () -> ()
    %mul3A_5 = arith.constant 80 : i32
    %mul3A_6 = arith.muli %add3A, %mul3A_5 : i32
    "tpu.region"() ({
      %run_scoped3A = tpu.sem_alloc : memref<!tpu.dma_semaphore, #tpu.memory_space<semaphore_mem>>
      %dma_start3A = arith.constant 0 : i32
      %dma_start3A_17 = tpu.memref_slice %arg2[%mul3A_6, %dma_start3A] : memref<2562x128xi32, #tpu.memory_space<hbm>> -> memref<80x128xi32, #tpu.memory_space<hbm>>
      %dma_start3A_18 = arith.constant 0 : i32
      %dma_start3A_19 = tpu.memref_slice %arg2[%mul3A_6, %dma_start3A_18] : memref<2562x128xi32, #tpu.memory_space<hbm>> -> memref<80x128xi32, #tpu.memory_space<hbm>>
      tpu.enqueue_dma source(%dma_start3A_19 : memref<80x128xi32, #tpu.memory_space<hbm>>) target(%arg6 : memref<80x128xi32, #tpu.memory_space<vmem>>) target_semaphore(%run_scoped3A : memref<!tpu.dma_semaphore, #tpu.memory_space<semaphore_mem>>)
      %dma_wait3A = arith.constant 0 : i32
      %dma_wait3A_20 = tpu.memref_slice %arg2[%mul3A_6, %dma_wait3A] : memref<2562x128xi32, #tpu.memory_space<hbm>> -> memref<80x128xi32, #tpu.memory_space<hbm>>
      %dma_wait3A_21 = arith.constant 0 : i32
      %dma_wait3A_22 = tpu.memref_slice %arg2[%mul3A_6, %dma_wait3A_21] : memref<2562x128xi32, #tpu.memory_space<hbm>> -> memref<80x128xi32, #tpu.memory_space<hbm>>
      tpu.wait_dma2 semaphore(%run_scoped3A : memref<!tpu.dma_semaphore, #tpu.memory_space<semaphore_mem>>) src(%dma_wait3A_22 : memref<80x128xi32, #tpu.memory_space<hbm>>) dst(%arg6 : memref<80x128xi32, #tpu.memory_space<vmem>>)
      tpu.yield
    }) : () -> ()
    "tpu.region"() ({
      %run_scoped3A = tpu.sem_alloc : memref<!tpu.dma_semaphore, #tpu.memory_space<semaphore_mem>>
      tpu.enqueue_dma source(%arg4 : memref<128xf32, #tpu.memory_space<hbm>>) target(%arg7 : memref<128xf32, #tpu.memory_space<vmem>>) target_semaphore(%run_scoped3A : memref<!tpu.dma_semaphore, #tpu.memory_space<semaphore_mem>>)
      tpu.wait_dma2 semaphore(%run_scoped3A : memref<!tpu.dma_semaphore, #tpu.memory_space<semaphore_mem>>) src(%arg4 : memref<128xf32, #tpu.memory_space<hbm>>) dst(%arg7 : memref<128xf32, #tpu.memory_space<vmem>>)
      tpu.yield
    }) : () -> ()
    %barrier3A = arith.constant 0 : index
    tpu.barrier barrier_id(%barrier3A)
    %scan3A = arith.constant 0 : i32
    %scan3A_7 = arith.constant 0 : i32
    %scan3A_8 = arith.constant 80 : i32
    %scan3A_9 = arith.addi %scan3A_7, %scan3A_8 : i32
    %scan3A_10 = arith.constant 1 : i32
    scf.for %scan3A_17 = %scan3A_7 to %scan3A_9 step %scan3A_10  : i32 {
      "tpu.region"() ({
        %run_scoped3A = tpu.sem_alloc : memref<!tpu.dma_semaphore, #tpu.memory_space<semaphore_mem>>
        %dma_start3A = arith.constant 0 : i32
        %dma_start3A_18 = tpu.memref_slice %arg6[%scan3A_17, %dma_start3A] : memref<80x128xi32, #tpu.memory_space<vmem>> -> memref<1x128xi32, #tpu.memory_space<vmem>>
        %dma_start3A_19 = tpu.memref_squeeze %dma_start3A_18 : memref<1x128xi32, #tpu.memory_space<vmem>> -> memref<128xi32, #tpu.memory_space<vmem>>
        %dma_start3A_20 = arith.constant 0 : i32
        %dma_start3A_21 = tpu.memref_slice %arg8[%dma_start3A_20] : memref<10240xf32, #tpu.memory_space<vmem_shared>> -> memref<10240xf32, #tpu.memory_space<vmem_shared>>
        tpu.enqueue_indirect_dma source(%arg7 : memref<128xf32, #tpu.memory_space<vmem>>) target(%dma_start3A_21 : memref<10240xf32, #tpu.memory_space<vmem_shared>>) offsets(%dma_start3A_19 : memref<128xi32, #tpu.memory_space<vmem>>) semaphore(%run_scoped3A : memref<!tpu.dma_semaphore, #tpu.memory_space<semaphore_mem>>) {add = true}
        %dma_wait3A = arith.constant 0 : i32
        %dma_wait3A_22 = tpu.memref_slice %arg6[%scan3A_17, %dma_wait3A] : memref<80x128xi32, #tpu.memory_space<vmem>> -> memref<1x128xi32, #tpu.memory_space<vmem>>
        %dma_wait3A_23 = tpu.memref_squeeze %dma_wait3A_22 : memref<1x128xi32, #tpu.memory_space<vmem>> -> memref<128xi32, #tpu.memory_space<vmem>>
        %dma_wait3A_24 = arith.constant 0 : i32
        %dma_wait3A_25 = tpu.memref_slice %arg8[%dma_wait3A_24] : memref<10240xf32, #tpu.memory_space<vmem_shared>> -> memref<10240xf32, #tpu.memory_space<vmem_shared>>
        tpu.wait_indirect_dma semaphore(%run_scoped3A : memref<!tpu.dma_semaphore, #tpu.memory_space<semaphore_mem>>) src(%arg7 : memref<128xf32, #tpu.memory_space<vmem>>) dst(%dma_wait3A_25 : memref<10240xf32, #tpu.memory_space<vmem_shared>>)
        tpu.yield
      }) : () -> ()
    }
    %scan3A_11 = arith.constant 80 : i32
    %barrier3A_12 = arith.constant 0 : index
    tpu.barrier barrier_id(%barrier3A_12)
    %mul3A_13 = arith.constant 640 : i32
    %mul3A_14 = arith.muli %arg1, %mul3A_13 : i32
    %mul3A_15 = arith.constant 640 : i32
    %mul3A_16 = arith.muli %arg1, %mul3A_15 : i32
    "tpu.region"() ({
      %run_scoped3A = tpu.sem_alloc : memref<!tpu.dma_semaphore, #tpu.memory_space<semaphore_mem>>
      %dma_start3A = tpu.memref_slice %arg5[%arg0, %mul3A_16] : memref<2x10240xf32, #tpu.memory_space<hbm>> -> memref<1x640xf32, #tpu.memory_space<hbm>>
      %dma_start3A_17 = tpu.memref_squeeze %dma_start3A : memref<1x640xf32, #tpu.memory_space<hbm>> -> memref<640xf32, #tpu.memory_space<hbm>>
      %dma_start3A_18 = tpu.memref_slice %arg8[%mul3A_14] : memref<10240xf32, #tpu.memory_space<vmem_shared>> -> memref<640xf32, #tpu.memory_space<vmem_shared>>
      tpu.enqueue_dma source(%dma_start3A_18 : memref<640xf32, #tpu.memory_space<vmem_shared>>) target(%dma_start3A_17 : memref<640xf32, #tpu.memory_space<hbm>>) target_semaphore(%run_scoped3A : memref<!tpu.dma_semaphore, #tpu.memory_space<semaphore_mem>>)
      %dma_wait3A = tpu.memref_slice %arg5[%arg0, %mul3A_16] : memref<2x10240xf32, #tpu.memory_space<hbm>> -> memref<1x640xf32, #tpu.memory_space<hbm>>
      %dma_wait3A_19 = tpu.memref_squeeze %dma_wait3A : memref<1x640xf32, #tpu.memory_space<hbm>> -> memref<640xf32, #tpu.memory_space<hbm>>
      %dma_wait3A_20 = tpu.memref_slice %arg8[%mul3A_14] : memref<10240xf32, #tpu.memory_space<vmem_shared>> -> memref<640xf32, #tpu.memory_space<vmem_shared>>
      tpu.wait_dma2 semaphore(%run_scoped3A : memref<!tpu.dma_semaphore, #tpu.memory_space<semaphore_mem>>) src(%dma_wait3A_20 : memref<640xf32, #tpu.memory_space<vmem_shared>>) dst(%dma_wait3A_19 : memref<640xf32, #tpu.memory_space<hbm>>)
      tpu.yield
    }) : () -> ()
    return
  }
}

#map = affine_map<(d0, d1) -> (0, 0)>
#map1 = affine_map<(d0, d1) -> (0, 0, 0)>
module attributes {stable_mosaic.version = 14 : i64} {
  func.func @_sc_agg(%arg0: i32, %arg1: i32, %arg2: memref<10240x32xf32, #tpu.memory_space<hbm>>, %arg3: memref<2562x128xi32, #tpu.memory_space<hbm>>, %arg4: memref<2562x128xi32, #tpu.memory_space<hbm>>, %arg5: memref<10240x32xf32, #tpu.memory_space<hbm>>, %arg6: memref<2x10240x32xf32, #tpu.memory_space<hbm>>, %arg7: memref<82x128xi32, #tpu.memory_space<vmem>>, %arg8: memref<80x128xi32, #tpu.memory_space<vmem>>, %arg9: memref<128x32xf32, #tpu.memory_space<vmem>>, %arg10: memref<128x32xf32, #tpu.memory_space<vmem>>, %arg11: memref<10240x32xf32, #tpu.memory_space<vmem_shared>>, %arg12: memref<!tpu.dma_semaphore, #tpu.memory_space<semaphore_mem>>, %arg13: memref<!tpu.dma_semaphore, #tpu.memory_space<semaphore_mem>>) attributes {dimension_semantics = [#tpu.dimension_semantics<core_parallel>, #tpu.dimension_semantics<subcore_parallel>], iteration_bounds = array<i64: 2, 16>, scalar_prefetch = 0 : i64, scratch_operands = 7 : i64, tpu.core_type = #tpu.core_type<sc_vector_subcore>, window_params = [{transform_indices = #map}, {transform_indices = #map}, {transform_indices = #map}, {transform_indices = #map}, {transform_indices = #map1}]} {
    %mul3A = arith.constant 2 : i32
    %mul3A_0 = arith.muli %arg1, %mul3A : i32
    %add3A = arith.addi %mul3A_0, %arg0 : i32
    %mul3A_1 = arith.constant 640 : i32
    %mul3A_2 = arith.muli %arg1, %mul3A_1 : i32
    %eq3A = arith.constant 0 : i32
    %eq3A_3 = arith.cmpi eq, %arg0, %eq3A : i32
    %convert_element_type3A = arith.extui %eq3A_3 : i1 to i32
    %cond3A = arith.constant 0 : i32
    %cond3A_4 = arith.cmpi ne, %convert_element_type3A, %cond3A : i32
    scf.if %cond3A_4 {
      "tpu.region"() ({
        %run_scoped3A = tpu.sem_alloc : memref<!tpu.dma_semaphore, #tpu.memory_space<semaphore_mem>>
        %dma_start3A_46 = arith.constant 0 : i32
        %dma_start3A_47 = tpu.memref_slice %arg11[%mul3A_2, %dma_start3A_46] : memref<10240x32xf32, #tpu.memory_space<vmem_shared>> -> memref<640x32xf32, #tpu.memory_space<vmem_shared>>
        %dma_start3A_48 = arith.constant 0 : i32
        %dma_start3A_49 = tpu.memref_slice %arg2[%mul3A_2, %dma_start3A_48] : memref<10240x32xf32, #tpu.memory_space<hbm>> -> memref<640x32xf32, #tpu.memory_space<hbm>>
        tpu.enqueue_dma source(%dma_start3A_49 : memref<640x32xf32, #tpu.memory_space<hbm>>) target(%dma_start3A_47 : memref<640x32xf32, #tpu.memory_space<vmem_shared>>) target_semaphore(%run_scoped3A : memref<!tpu.dma_semaphore, #tpu.memory_space<semaphore_mem>>)
        %dma_wait3A_50 = arith.constant 0 : i32
        %dma_wait3A_51 = tpu.memref_slice %arg11[%mul3A_2, %dma_wait3A_50] : memref<10240x32xf32, #tpu.memory_space<vmem_shared>> -> memref<640x32xf32, #tpu.memory_space<vmem_shared>>
        %dma_wait3A_52 = arith.constant 0 : i32
        %dma_wait3A_53 = tpu.memref_slice %arg2[%mul3A_2, %dma_wait3A_52] : memref<10240x32xf32, #tpu.memory_space<hbm>> -> memref<640x32xf32, #tpu.memory_space<hbm>>
        tpu.wait_dma2 semaphore(%run_scoped3A : memref<!tpu.dma_semaphore, #tpu.memory_space<semaphore_mem>>) src(%dma_wait3A_53 : memref<640x32xf32, #tpu.memory_space<hbm>>) dst(%dma_wait3A_51 : memref<640x32xf32, #tpu.memory_space<vmem_shared>>)
        tpu.yield
      }) : () -> ()
    } else {
    }
    %eq3A_5 = arith.constant 1 : i32
    %eq3A_6 = arith.cmpi eq, %arg0, %eq3A_5 : i32
    %convert_element_type3A_7 = arith.extui %eq3A_6 : i1 to i32
    %cond3A_8 = arith.constant 0 : i32
    %cond3A_9 = arith.cmpi ne, %convert_element_type3A_7, %cond3A_8 : i32
    scf.if %cond3A_9 {
      "tpu.region"() ({
        %run_scoped3A = tpu.sem_alloc : memref<!tpu.dma_semaphore, #tpu.memory_space<semaphore_mem>>
        %dma_start3A_46 = arith.constant 0 : i32
        %dma_start3A_47 = tpu.memref_slice %arg11[%mul3A_2, %dma_start3A_46] : memref<10240x32xf32, #tpu.memory_space<vmem_shared>> -> memref<640x32xf32, #tpu.memory_space<vmem_shared>>
        %dma_start3A_48 = arith.constant 0 : i32
        %dma_start3A_49 = tpu.memref_slice %arg5[%mul3A_2, %dma_start3A_48] : memref<10240x32xf32, #tpu.memory_space<hbm>> -> memref<640x32xf32, #tpu.memory_space<hbm>>
        tpu.enqueue_dma source(%dma_start3A_49 : memref<640x32xf32, #tpu.memory_space<hbm>>) target(%dma_start3A_47 : memref<640x32xf32, #tpu.memory_space<vmem_shared>>) target_semaphore(%run_scoped3A : memref<!tpu.dma_semaphore, #tpu.memory_space<semaphore_mem>>)
        %dma_wait3A_50 = arith.constant 0 : i32
        %dma_wait3A_51 = tpu.memref_slice %arg11[%mul3A_2, %dma_wait3A_50] : memref<10240x32xf32, #tpu.memory_space<vmem_shared>> -> memref<640x32xf32, #tpu.memory_space<vmem_shared>>
        %dma_wait3A_52 = arith.constant 0 : i32
        %dma_wait3A_53 = tpu.memref_slice %arg5[%mul3A_2, %dma_wait3A_52] : memref<10240x32xf32, #tpu.memory_space<hbm>> -> memref<640x32xf32, #tpu.memory_space<hbm>>
        tpu.wait_dma2 semaphore(%run_scoped3A : memref<!tpu.dma_semaphore, #tpu.memory_space<semaphore_mem>>) src(%dma_wait3A_53 : memref<640x32xf32, #tpu.memory_space<hbm>>) dst(%dma_wait3A_51 : memref<640x32xf32, #tpu.memory_space<vmem_shared>>)
        tpu.yield
      }) : () -> ()
    } else {
    }
    %mul3A_10 = arith.constant 80 : i32
    %mul3A_11 = arith.muli %add3A, %mul3A_10 : i32
    "tpu.region"() ({
      %run_scoped3A = tpu.sem_alloc : memref<!tpu.dma_semaphore, #tpu.memory_space<semaphore_mem>>
      %dma_start3A_46 = arith.constant 0 : i32
      %dma_start3A_47 = tpu.memref_slice %arg3[%mul3A_11, %dma_start3A_46] : memref<2562x128xi32, #tpu.memory_space<hbm>> -> memref<82x128xi32, #tpu.memory_space<hbm>>
      %dma_start3A_48 = arith.constant 0 : i32
      %dma_start3A_49 = tpu.memref_slice %arg3[%mul3A_11, %dma_start3A_48] : memref<2562x128xi32, #tpu.memory_space<hbm>> -> memref<82x128xi32, #tpu.memory_space<hbm>>
      tpu.enqueue_dma source(%dma_start3A_49 : memref<82x128xi32, #tpu.memory_space<hbm>>) target(%arg7 : memref<82x128xi32, #tpu.memory_space<vmem>>) target_semaphore(%run_scoped3A : memref<!tpu.dma_semaphore, #tpu.memory_space<semaphore_mem>>)
      %dma_wait3A_50 = arith.constant 0 : i32
      %dma_wait3A_51 = tpu.memref_slice %arg3[%mul3A_11, %dma_wait3A_50] : memref<2562x128xi32, #tpu.memory_space<hbm>> -> memref<82x128xi32, #tpu.memory_space<hbm>>
      %dma_wait3A_52 = arith.constant 0 : i32
      %dma_wait3A_53 = tpu.memref_slice %arg3[%mul3A_11, %dma_wait3A_52] : memref<2562x128xi32, #tpu.memory_space<hbm>> -> memref<82x128xi32, #tpu.memory_space<hbm>>
      tpu.wait_dma2 semaphore(%run_scoped3A : memref<!tpu.dma_semaphore, #tpu.memory_space<semaphore_mem>>) src(%dma_wait3A_53 : memref<82x128xi32, #tpu.memory_space<hbm>>) dst(%arg7 : memref<82x128xi32, #tpu.memory_space<vmem>>)
      tpu.yield
    }) : () -> ()
    "tpu.region"() ({
      %run_scoped3A = tpu.sem_alloc : memref<!tpu.dma_semaphore, #tpu.memory_space<semaphore_mem>>
      %dma_start3A_46 = arith.constant 0 : i32
      %dma_start3A_47 = tpu.memref_slice %arg4[%mul3A_11, %dma_start3A_46] : memref<2562x128xi32, #tpu.memory_space<hbm>> -> memref<80x128xi32, #tpu.memory_space<hbm>>
      %dma_start3A_48 = arith.constant 0 : i32
      %dma_start3A_49 = tpu.memref_slice %arg4[%mul3A_11, %dma_start3A_48] : memref<2562x128xi32, #tpu.memory_space<hbm>> -> memref<80x128xi32, #tpu.memory_space<hbm>>
      tpu.enqueue_dma source(%dma_start3A_49 : memref<80x128xi32, #tpu.memory_space<hbm>>) target(%arg8 : memref<80x128xi32, #tpu.memory_space<vmem>>) target_semaphore(%run_scoped3A : memref<!tpu.dma_semaphore, #tpu.memory_space<semaphore_mem>>)
      %dma_wait3A_50 = arith.constant 0 : i32
      %dma_wait3A_51 = tpu.memref_slice %arg4[%mul3A_11, %dma_wait3A_50] : memref<2562x128xi32, #tpu.memory_space<hbm>> -> memref<80x128xi32, #tpu.memory_space<hbm>>
      %dma_wait3A_52 = arith.constant 0 : i32
      %dma_wait3A_53 = tpu.memref_slice %arg4[%mul3A_11, %dma_wait3A_52] : memref<2562x128xi32, #tpu.memory_space<hbm>> -> memref<80x128xi32, #tpu.memory_space<hbm>>
      tpu.wait_dma2 semaphore(%run_scoped3A : memref<!tpu.dma_semaphore, #tpu.memory_space<semaphore_mem>>) src(%dma_wait3A_53 : memref<80x128xi32, #tpu.memory_space<hbm>>) dst(%arg8 : memref<80x128xi32, #tpu.memory_space<vmem>>)
      tpu.yield
    }) : () -> ()
    %barrier3A = arith.constant 0 : index
    tpu.barrier barrier_id(%barrier3A)
    %dma_start3A = arith.constant 0 : i32
    %dma_start3A_12 = arith.constant 0 : i32
    %dma_start3A_13 = tpu.memref_slice %arg7[%dma_start3A, %dma_start3A_12] : memref<82x128xi32, #tpu.memory_space<vmem>> -> memref<1x128xi32, #tpu.memory_space<vmem>>
    %dma_start3A_14 = tpu.memref_squeeze %dma_start3A_13 : memref<1x128xi32, #tpu.memory_space<vmem>> -> memref<128xi32, #tpu.memory_space<vmem>>
    %dma_start3A_15 = arith.constant 0 : i32
    %dma_start3A_16 = arith.constant 0 : i32
    %dma_start3A_17 = tpu.memref_slice %arg2[%dma_start3A_15, %dma_start3A_16] : memref<10240x32xf32, #tpu.memory_space<hbm>> -> memref<10240x32xf32, #tpu.memory_space<hbm>>
    tpu.enqueue_indirect_dma source(%dma_start3A_17 : memref<10240x32xf32, #tpu.memory_space<hbm>>) target(%arg9 : memref<128x32xf32, #tpu.memory_space<vmem>>) offsets(%dma_start3A_14 : memref<128xi32, #tpu.memory_space<vmem>>) semaphore(%arg12 : memref<!tpu.dma_semaphore, #tpu.memory_space<semaphore_mem>>)
    %dma_start3A_18 = arith.constant 1 : i32
    %dma_start3A_19 = arith.constant 0 : i32
    %dma_start3A_20 = tpu.memref_slice %arg7[%dma_start3A_18, %dma_start3A_19] : memref<82x128xi32, #tpu.memory_space<vmem>> -> memref<1x128xi32, #tpu.memory_space<vmem>>
    %dma_start3A_21 = tpu.memref_squeeze %dma_start3A_20 : memref<1x128xi32, #tpu.memory_space<vmem>> -> memref<128xi32, #tpu.memory_space<vmem>>
    %dma_start3A_22 = arith.constant 0 : i32
    %dma_start3A_23 = arith.constant 0 : i32
    %dma_start3A_24 = tpu.memref_slice %arg2[%dma_start3A_22, %dma_start3A_23] : memref<10240x32xf32, #tpu.memory_space<hbm>> -> memref<10240x32xf32, #tpu.memory_space<hbm>>
    tpu.enqueue_indirect_dma source(%dma_start3A_24 : memref<10240x32xf32, #tpu.memory_space<hbm>>) target(%arg10 : memref<128x32xf32, #tpu.memory_space<vmem>>) offsets(%dma_start3A_21 : memref<128xi32, #tpu.memory_space<vmem>>) semaphore(%arg13 : memref<!tpu.dma_semaphore, #tpu.memory_space<semaphore_mem>>)
    %scan3A = arith.constant 0 : i32
    %scan3A_25 = arith.constant 0 : i32
    %scan3A_26 = arith.constant 40 : i32
    %scan3A_27 = arith.addi %scan3A_25, %scan3A_26 : i32
    %scan3A_28 = arith.constant 1 : i32
    scf.for %scan3A_46 = %scan3A_25 to %scan3A_27 step %scan3A_28  : i32 {
      %mul3A_47 = arith.constant 2 : i32
      %mul3A_48 = arith.muli %mul3A_47, %scan3A_46 : i32
      %dma_wait3A_49 = arith.constant 0 : i32
      %dma_wait3A_50 = arith.constant 0 : i32
      %dma_wait3A_51 = tpu.memref_slice %arg2[%dma_wait3A_49, %dma_wait3A_50] : memref<10240x32xf32, #tpu.memory_space<hbm>> -> memref<128x32xf32, #tpu.memory_space<hbm>>
      %dma_wait3A_52 = arith.constant 0 : i32
      %dma_wait3A_53 = arith.constant 0 : i32
      %dma_wait3A_54 = tpu.memref_slice %arg2[%dma_wait3A_52, %dma_wait3A_53] : memref<10240x32xf32, #tpu.memory_space<hbm>> -> memref<128x32xf32, #tpu.memory_space<hbm>>
      tpu.wait_dma2 semaphore(%arg12 : memref<!tpu.dma_semaphore, #tpu.memory_space<semaphore_mem>>) src(%dma_wait3A_54 : memref<128x32xf32, #tpu.memory_space<hbm>>) dst(%arg9 : memref<128x32xf32, #tpu.memory_space<vmem>>)
      "tpu.region"() ({
        %run_scoped3A = tpu.sem_alloc : memref<!tpu.dma_semaphore, #tpu.memory_space<semaphore_mem>>
        %dma_start3A_79 = arith.constant 0 : i32
        %dma_start3A_80 = tpu.memref_slice %arg8[%mul3A_48, %dma_start3A_79] : memref<80x128xi32, #tpu.memory_space<vmem>> -> memref<1x128xi32, #tpu.memory_space<vmem>>
        %dma_start3A_81 = tpu.memref_squeeze %dma_start3A_80 : memref<1x128xi32, #tpu.memory_space<vmem>> -> memref<128xi32, #tpu.memory_space<vmem>>
        %dma_start3A_82 = arith.constant 0 : i32
        %dma_start3A_83 = arith.constant 0 : i32
        %dma_start3A_84 = tpu.memref_slice %arg11[%dma_start3A_82, %dma_start3A_83] : memref<10240x32xf32, #tpu.memory_space<vmem_shared>> -> memref<10240x32xf32, #tpu.memory_space<vmem_shared>>
        tpu.enqueue_indirect_dma source(%arg9 : memref<128x32xf32, #tpu.memory_space<vmem>>) target(%dma_start3A_84 : memref<10240x32xf32, #tpu.memory_space<vmem_shared>>) offsets(%dma_start3A_81 : memref<128xi32, #tpu.memory_space<vmem>>) semaphore(%run_scoped3A : memref<!tpu.dma_semaphore, #tpu.memory_space<semaphore_mem>>) {add = true}
        %dma_wait3A_85 = arith.constant 0 : i32
        %dma_wait3A_86 = tpu.memref_slice %arg8[%mul3A_48, %dma_wait3A_85] : memref<80x128xi32, #tpu.memory_space<vmem>> -> memref<1x128xi32, #tpu.memory_space<vmem>>
        %dma_wait3A_87 = tpu.memref_squeeze %dma_wait3A_86 : memref<1x128xi32, #tpu.memory_space<vmem>> -> memref<128xi32, #tpu.memory_space<vmem>>
        %dma_wait3A_88 = arith.constant 0 : i32
        %dma_wait3A_89 = arith.constant 0 : i32
        %dma_wait3A_90 = tpu.memref_slice %arg11[%dma_wait3A_88, %dma_wait3A_89] : memref<10240x32xf32, #tpu.memory_space<vmem_shared>> -> memref<10240x32xf32, #tpu.memory_space<vmem_shared>>
        tpu.wait_indirect_dma semaphore(%run_scoped3A : memref<!tpu.dma_semaphore, #tpu.memory_space<semaphore_mem>>) src(%arg9 : memref<128x32xf32, #tpu.memory_space<vmem>>) dst(%dma_wait3A_90 : memref<10240x32xf32, #tpu.memory_space<vmem_shared>>)
        tpu.yield
      }) : () -> ()
      %add3A_55 = arith.constant 2 : i32
      %add3A_56 = arith.addi %mul3A_48, %add3A_55 : i32
      %dma_start3A_57 = arith.constant 0 : i32
      %dma_start3A_58 = tpu.memref_slice %arg7[%add3A_56, %dma_start3A_57] : memref<82x128xi32, #tpu.memory_space<vmem>> -> memref<1x128xi32, #tpu.memory_space<vmem>>
      %dma_start3A_59 = tpu.memref_squeeze %dma_start3A_58 : memref<1x128xi32, #tpu.memory_space<vmem>> -> memref<128xi32, #tpu.memory_space<vmem>>
      %dma_start3A_60 = arith.constant 0 : i32
      %dma_start3A_61 = arith.constant 0 : i32
      %dma_start3A_62 = tpu.memref_slice %arg2[%dma_start3A_60, %dma_start3A_61] : memref<10240x32xf32, #tpu.memory_space<hbm>> -> memref<10240x32xf32, #tpu.memory_space<hbm>>
      tpu.enqueue_indirect_dma source(%dma_start3A_62 : memref<10240x32xf32, #tpu.memory_space<hbm>>) target(%arg9 : memref<128x32xf32, #tpu.memory_space<vmem>>) offsets(%dma_start3A_59 : memref<128xi32, #tpu.memory_space<vmem>>) semaphore(%arg12 : memref<!tpu.dma_semaphore, #tpu.memory_space<semaphore_mem>>)
      %dma_wait3A_63 = arith.constant 0 : i32
      %dma_wait3A_64 = arith.constant 0 : i32
      %dma_wait3A_65 = tpu.memref_slice %arg2[%dma_wait3A_63, %dma_wait3A_64] : memref<10240x32xf32, #tpu.memory_space<hbm>> -> memref<128x32xf32, #tpu.memory_space<hbm>>
      %dma_wait3A_66 = arith.constant 0 : i32
      %dma_wait3A_67 = arith.constant 0 : i32
      %dma_wait3A_68 = tpu.memref_slice %arg2[%dma_wait3A_66, %dma_wait3A_67] : memref<10240x32xf32, #tpu.memory_space<hbm>> -> memref<128x32xf32, #tpu.memory_space<hbm>>
      tpu.wait_dma2 semaphore(%arg13 : memref<!tpu.dma_semaphore, #tpu.memory_space<semaphore_mem>>) src(%dma_wait3A_68 : memref<128x32xf32, #tpu.memory_space<hbm>>) dst(%arg10 : memref<128x32xf32, #tpu.memory_space<vmem>>)
      %add3A_69 = arith.constant 1 : i32
      %add3A_70 = arith.addi %mul3A_48, %add3A_69 : i32
      "tpu.region"() ({
        %run_scoped3A = tpu.sem_alloc : memref<!tpu.dma_semaphore, #tpu.memory_space<semaphore_mem>>
        %dma_start3A_79 = arith.constant 0 : i32
        %dma_start3A_80 = tpu.memref_slice %arg8[%add3A_70, %dma_start3A_79] : memref<80x128xi32, #tpu.memory_space<vmem>> -> memref<1x128xi32, #tpu.memory_space<vmem>>
        %dma_start3A_81 = tpu.memref_squeeze %dma_start3A_80 : memref<1x128xi32, #tpu.memory_space<vmem>> -> memref<128xi32, #tpu.memory_space<vmem>>
        %dma_start3A_82 = arith.constant 0 : i32
        %dma_start3A_83 = arith.constant 0 : i32
        %dma_start3A_84 = tpu.memref_slice %arg11[%dma_start3A_82, %dma_start3A_83] : memref<10240x32xf32, #tpu.memory_space<vmem_shared>> -> memref<10240x32xf32, #tpu.memory_space<vmem_shared>>
        tpu.enqueue_indirect_dma source(%arg10 : memref<128x32xf32, #tpu.memory_space<vmem>>) target(%dma_start3A_84 : memref<10240x32xf32, #tpu.memory_space<vmem_shared>>) offsets(%dma_start3A_81 : memref<128xi32, #tpu.memory_space<vmem>>) semaphore(%run_scoped3A : memref<!tpu.dma_semaphore, #tpu.memory_space<semaphore_mem>>) {add = true}
        %dma_wait3A_85 = arith.constant 0 : i32
        %dma_wait3A_86 = tpu.memref_slice %arg8[%add3A_70, %dma_wait3A_85] : memref<80x128xi32, #tpu.memory_space<vmem>> -> memref<1x128xi32, #tpu.memory_space<vmem>>
        %dma_wait3A_87 = tpu.memref_squeeze %dma_wait3A_86 : memref<1x128xi32, #tpu.memory_space<vmem>> -> memref<128xi32, #tpu.memory_space<vmem>>
        %dma_wait3A_88 = arith.constant 0 : i32
        %dma_wait3A_89 = arith.constant 0 : i32
        %dma_wait3A_90 = tpu.memref_slice %arg11[%dma_wait3A_88, %dma_wait3A_89] : memref<10240x32xf32, #tpu.memory_space<vmem_shared>> -> memref<10240x32xf32, #tpu.memory_space<vmem_shared>>
        tpu.wait_indirect_dma semaphore(%run_scoped3A : memref<!tpu.dma_semaphore, #tpu.memory_space<semaphore_mem>>) src(%arg10 : memref<128x32xf32, #tpu.memory_space<vmem>>) dst(%dma_wait3A_90 : memref<10240x32xf32, #tpu.memory_space<vmem_shared>>)
        tpu.yield
      }) : () -> ()
      %add3A_71 = arith.constant 3 : i32
      %add3A_72 = arith.addi %mul3A_48, %add3A_71 : i32
      %dma_start3A_73 = arith.constant 0 : i32
      %dma_start3A_74 = tpu.memref_slice %arg7[%add3A_72, %dma_start3A_73] : memref<82x128xi32, #tpu.memory_space<vmem>> -> memref<1x128xi32, #tpu.memory_space<vmem>>
      %dma_start3A_75 = tpu.memref_squeeze %dma_start3A_74 : memref<1x128xi32, #tpu.memory_space<vmem>> -> memref<128xi32, #tpu.memory_space<vmem>>
      %dma_start3A_76 = arith.constant 0 : i32
      %dma_start3A_77 = arith.constant 0 : i32
      %dma_start3A_78 = tpu.memref_slice %arg2[%dma_start3A_76, %dma_start3A_77] : memref<10240x32xf32, #tpu.memory_space<hbm>> -> memref<10240x32xf32, #tpu.memory_space<hbm>>
      tpu.enqueue_indirect_dma source(%dma_start3A_78 : memref<10240x32xf32, #tpu.memory_space<hbm>>) target(%arg10 : memref<128x32xf32, #tpu.memory_space<vmem>>) offsets(%dma_start3A_75 : memref<128xi32, #tpu.memory_space<vmem>>) semaphore(%arg13 : memref<!tpu.dma_semaphore, #tpu.memory_space<semaphore_mem>>)
    }
    %scan3A_29 = arith.constant 40 : i32
    %dma_wait3A = arith.constant 0 : i32
    %dma_wait3A_30 = arith.constant 0 : i32
    %dma_wait3A_31 = tpu.memref_slice %arg2[%dma_wait3A, %dma_wait3A_30] : memref<10240x32xf32, #tpu.memory_space<hbm>> -> memref<128x32xf32, #tpu.memory_space<hbm>>
    %dma_wait3A_32 = arith.constant 0 : i32
    %dma_wait3A_33 = arith.constant 0 : i32
    %dma_wait3A_34 = tpu.memref_slice %arg2[%dma_wait3A_32, %dma_wait3A_33] : memref<10240x32xf32, #tpu.memory_space<hbm>> -> memref<128x32xf32, #tpu.memory_space<hbm>>
    tpu.wait_dma2 semaphore(%arg12 : memref<!tpu.dma_semaphore, #tpu.memory_space<semaphore_mem>>) src(%dma_wait3A_34 : memref<128x32xf32, #tpu.memory_space<hbm>>) dst(%arg9 : memref<128x32xf32, #tpu.memory_space<vmem>>)
    %dma_wait3A_35 = arith.constant 0 : i32
    %dma_wait3A_36 = arith.constant 0 : i32
    %dma_wait3A_37 = tpu.memref_slice %arg2[%dma_wait3A_35, %dma_wait3A_36] : memref<10240x32xf32, #tpu.memory_space<hbm>> -> memref<128x32xf32, #tpu.memory_space<hbm>>
    %dma_wait3A_38 = arith.constant 0 : i32
    %dma_wait3A_39 = arith.constant 0 : i32
    %dma_wait3A_40 = tpu.memref_slice %arg2[%dma_wait3A_38, %dma_wait3A_39] : memref<10240x32xf32, #tpu.memory_space<hbm>> -> memref<128x32xf32, #tpu.memory_space<hbm>>
    tpu.wait_dma2 semaphore(%arg13 : memref<!tpu.dma_semaphore, #tpu.memory_space<semaphore_mem>>) src(%dma_wait3A_40 : memref<128x32xf32, #tpu.memory_space<hbm>>) dst(%arg10 : memref<128x32xf32, #tpu.memory_space<vmem>>)
    %barrier3A_41 = arith.constant 0 : index
    tpu.barrier barrier_id(%barrier3A_41)
    %mul3A_42 = arith.constant 640 : i32
    %mul3A_43 = arith.muli %arg1, %mul3A_42 : i32
    %mul3A_44 = arith.constant 640 : i32
    %mul3A_45 = arith.muli %arg1, %mul3A_44 : i32
    "tpu.region"() ({
      %run_scoped3A = tpu.sem_alloc : memref<!tpu.dma_semaphore, #tpu.memory_space<semaphore_mem>>
      %dma_start3A_46 = arith.constant 0 : i32
      %dma_start3A_47 = tpu.memref_slice %arg6[%arg0, %mul3A_45, %dma_start3A_46] : memref<2x10240x32xf32, #tpu.memory_space<hbm>> -> memref<1x640x32xf32, #tpu.memory_space<hbm>>
      %dma_start3A_48 = tpu.memref_squeeze %dma_start3A_47 : memref<1x640x32xf32, #tpu.memory_space<hbm>> -> memref<640x32xf32, #tpu.memory_space<hbm>>
      %dma_start3A_49 = arith.constant 0 : i32
      %dma_start3A_50 = tpu.memref_slice %arg11[%mul3A_43, %dma_start3A_49] : memref<10240x32xf32, #tpu.memory_space<vmem_shared>> -> memref<640x32xf32, #tpu.memory_space<vmem_shared>>
      tpu.enqueue_dma source(%dma_start3A_50 : memref<640x32xf32, #tpu.memory_space<vmem_shared>>) target(%dma_start3A_48 : memref<640x32xf32, #tpu.memory_space<hbm>>) target_semaphore(%run_scoped3A : memref<!tpu.dma_semaphore, #tpu.memory_space<semaphore_mem>>)
      %dma_wait3A_51 = arith.constant 0 : i32
      %dma_wait3A_52 = tpu.memref_slice %arg6[%arg0, %mul3A_45, %dma_wait3A_51] : memref<2x10240x32xf32, #tpu.memory_space<hbm>> -> memref<1x640x32xf32, #tpu.memory_space<hbm>>
      %dma_wait3A_53 = tpu.memref_squeeze %dma_wait3A_52 : memref<1x640x32xf32, #tpu.memory_space<hbm>> -> memref<640x32xf32, #tpu.memory_space<hbm>>
      %dma_wait3A_54 = arith.constant 0 : i32
      %dma_wait3A_55 = tpu.memref_slice %arg11[%mul3A_43, %dma_wait3A_54] : memref<10240x32xf32, #tpu.memory_space<vmem_shared>> -> memref<640x32xf32, #tpu.memory_space<vmem_shared>>
      tpu.wait_dma2 semaphore(%run_scoped3A : memref<!tpu.dma_semaphore, #tpu.memory_space<semaphore_mem>>) src(%dma_wait3A_55 : memref<640x32xf32, #tpu.memory_space<vmem_shared>>) dst(%dma_wait3A_53 : memref<640x32xf32, #tpu.memory_space<hbm>>)
      tpu.yield
    }) : () -> ()
    return
  }
}

#map = affine_map<(d0, d1) -> (0, 0)>
#map1 = affine_map<(d0, d1) -> (0, 0, 0)>
module attributes {stable_mosaic.version = 14 : i64} {
  func.func @_sc_agg(%arg0: i32, %arg1: i32, %arg2: memref<10240x64xf32, #tpu.memory_space<hbm>>, %arg3: memref<2562x128xi32, #tpu.memory_space<hbm>>, %arg4: memref<2562x128xi32, #tpu.memory_space<hbm>>, %arg5: memref<10240x64xf32, #tpu.memory_space<hbm>>, %arg6: memref<2x10240x64xf32, #tpu.memory_space<hbm>>, %arg7: memref<82x128xi32, #tpu.memory_space<vmem>>, %arg8: memref<80x128xi32, #tpu.memory_space<vmem>>, %arg9: memref<128x64xf32, #tpu.memory_space<vmem>>, %arg10: memref<128x64xf32, #tpu.memory_space<vmem>>, %arg11: memref<10240x64xf32, #tpu.memory_space<vmem_shared>>, %arg12: memref<!tpu.dma_semaphore, #tpu.memory_space<semaphore_mem>>, %arg13: memref<!tpu.dma_semaphore, #tpu.memory_space<semaphore_mem>>) attributes {dimension_semantics = [#tpu.dimension_semantics<core_parallel>, #tpu.dimension_semantics<subcore_parallel>], iteration_bounds = array<i64: 2, 16>, scalar_prefetch = 0 : i64, scratch_operands = 7 : i64, tpu.core_type = #tpu.core_type<sc_vector_subcore>, window_params = [{transform_indices = #map}, {transform_indices = #map}, {transform_indices = #map}, {transform_indices = #map}, {transform_indices = #map1}]} {
    %mul3A = arith.constant 2 : i32
    %mul3A_0 = arith.muli %arg1, %mul3A : i32
    %add3A = arith.addi %mul3A_0, %arg0 : i32
    %mul3A_1 = arith.constant 640 : i32
    %mul3A_2 = arith.muli %arg1, %mul3A_1 : i32
    %eq3A = arith.constant 0 : i32
    %eq3A_3 = arith.cmpi eq, %arg0, %eq3A : i32
    %convert_element_type3A = arith.extui %eq3A_3 : i1 to i32
    %cond3A = arith.constant 0 : i32
    %cond3A_4 = arith.cmpi ne, %convert_element_type3A, %cond3A : i32
    scf.if %cond3A_4 {
      "tpu.region"() ({
        %run_scoped3A = tpu.sem_alloc : memref<!tpu.dma_semaphore, #tpu.memory_space<semaphore_mem>>
        %dma_start3A_46 = arith.constant 0 : i32
        %dma_start3A_47 = tpu.memref_slice %arg11[%mul3A_2, %dma_start3A_46] : memref<10240x64xf32, #tpu.memory_space<vmem_shared>> -> memref<640x64xf32, #tpu.memory_space<vmem_shared>>
        %dma_start3A_48 = arith.constant 0 : i32
        %dma_start3A_49 = tpu.memref_slice %arg2[%mul3A_2, %dma_start3A_48] : memref<10240x64xf32, #tpu.memory_space<hbm>> -> memref<640x64xf32, #tpu.memory_space<hbm>>
        tpu.enqueue_dma source(%dma_start3A_49 : memref<640x64xf32, #tpu.memory_space<hbm>>) target(%dma_start3A_47 : memref<640x64xf32, #tpu.memory_space<vmem_shared>>) target_semaphore(%run_scoped3A : memref<!tpu.dma_semaphore, #tpu.memory_space<semaphore_mem>>)
        %dma_wait3A_50 = arith.constant 0 : i32
        %dma_wait3A_51 = tpu.memref_slice %arg11[%mul3A_2, %dma_wait3A_50] : memref<10240x64xf32, #tpu.memory_space<vmem_shared>> -> memref<640x64xf32, #tpu.memory_space<vmem_shared>>
        %dma_wait3A_52 = arith.constant 0 : i32
        %dma_wait3A_53 = tpu.memref_slice %arg2[%mul3A_2, %dma_wait3A_52] : memref<10240x64xf32, #tpu.memory_space<hbm>> -> memref<640x64xf32, #tpu.memory_space<hbm>>
        tpu.wait_dma2 semaphore(%run_scoped3A : memref<!tpu.dma_semaphore, #tpu.memory_space<semaphore_mem>>) src(%dma_wait3A_53 : memref<640x64xf32, #tpu.memory_space<hbm>>) dst(%dma_wait3A_51 : memref<640x64xf32, #tpu.memory_space<vmem_shared>>)
        tpu.yield
      }) : () -> ()
    } else {
    }
    %eq3A_5 = arith.constant 1 : i32
    %eq3A_6 = arith.cmpi eq, %arg0, %eq3A_5 : i32
    %convert_element_type3A_7 = arith.extui %eq3A_6 : i1 to i32
    %cond3A_8 = arith.constant 0 : i32
    %cond3A_9 = arith.cmpi ne, %convert_element_type3A_7, %cond3A_8 : i32
    scf.if %cond3A_9 {
      "tpu.region"() ({
        %run_scoped3A = tpu.sem_alloc : memref<!tpu.dma_semaphore, #tpu.memory_space<semaphore_mem>>
        %dma_start3A_46 = arith.constant 0 : i32
        %dma_start3A_47 = tpu.memref_slice %arg11[%mul3A_2, %dma_start3A_46] : memref<10240x64xf32, #tpu.memory_space<vmem_shared>> -> memref<640x64xf32, #tpu.memory_space<vmem_shared>>
        %dma_start3A_48 = arith.constant 0 : i32
        %dma_start3A_49 = tpu.memref_slice %arg5[%mul3A_2, %dma_start3A_48] : memref<10240x64xf32, #tpu.memory_space<hbm>> -> memref<640x64xf32, #tpu.memory_space<hbm>>
        tpu.enqueue_dma source(%dma_start3A_49 : memref<640x64xf32, #tpu.memory_space<hbm>>) target(%dma_start3A_47 : memref<640x64xf32, #tpu.memory_space<vmem_shared>>) target_semaphore(%run_scoped3A : memref<!tpu.dma_semaphore, #tpu.memory_space<semaphore_mem>>)
        %dma_wait3A_50 = arith.constant 0 : i32
        %dma_wait3A_51 = tpu.memref_slice %arg11[%mul3A_2, %dma_wait3A_50] : memref<10240x64xf32, #tpu.memory_space<vmem_shared>> -> memref<640x64xf32, #tpu.memory_space<vmem_shared>>
        %dma_wait3A_52 = arith.constant 0 : i32
        %dma_wait3A_53 = tpu.memref_slice %arg5[%mul3A_2, %dma_wait3A_52] : memref<10240x64xf32, #tpu.memory_space<hbm>> -> memref<640x64xf32, #tpu.memory_space<hbm>>
        tpu.wait_dma2 semaphore(%run_scoped3A : memref<!tpu.dma_semaphore, #tpu.memory_space<semaphore_mem>>) src(%dma_wait3A_53 : memref<640x64xf32, #tpu.memory_space<hbm>>) dst(%dma_wait3A_51 : memref<640x64xf32, #tpu.memory_space<vmem_shared>>)
        tpu.yield
      }) : () -> ()
    } else {
    }
    %mul3A_10 = arith.constant 80 : i32
    %mul3A_11 = arith.muli %add3A, %mul3A_10 : i32
    "tpu.region"() ({
      %run_scoped3A = tpu.sem_alloc : memref<!tpu.dma_semaphore, #tpu.memory_space<semaphore_mem>>
      %dma_start3A_46 = arith.constant 0 : i32
      %dma_start3A_47 = tpu.memref_slice %arg3[%mul3A_11, %dma_start3A_46] : memref<2562x128xi32, #tpu.memory_space<hbm>> -> memref<82x128xi32, #tpu.memory_space<hbm>>
      %dma_start3A_48 = arith.constant 0 : i32
      %dma_start3A_49 = tpu.memref_slice %arg3[%mul3A_11, %dma_start3A_48] : memref<2562x128xi32, #tpu.memory_space<hbm>> -> memref<82x128xi32, #tpu.memory_space<hbm>>
      tpu.enqueue_dma source(%dma_start3A_49 : memref<82x128xi32, #tpu.memory_space<hbm>>) target(%arg7 : memref<82x128xi32, #tpu.memory_space<vmem>>) target_semaphore(%run_scoped3A : memref<!tpu.dma_semaphore, #tpu.memory_space<semaphore_mem>>)
      %dma_wait3A_50 = arith.constant 0 : i32
      %dma_wait3A_51 = tpu.memref_slice %arg3[%mul3A_11, %dma_wait3A_50] : memref<2562x128xi32, #tpu.memory_space<hbm>> -> memref<82x128xi32, #tpu.memory_space<hbm>>
      %dma_wait3A_52 = arith.constant 0 : i32
      %dma_wait3A_53 = tpu.memref_slice %arg3[%mul3A_11, %dma_wait3A_52] : memref<2562x128xi32, #tpu.memory_space<hbm>> -> memref<82x128xi32, #tpu.memory_space<hbm>>
      tpu.wait_dma2 semaphore(%run_scoped3A : memref<!tpu.dma_semaphore, #tpu.memory_space<semaphore_mem>>) src(%dma_wait3A_53 : memref<82x128xi32, #tpu.memory_space<hbm>>) dst(%arg7 : memref<82x128xi32, #tpu.memory_space<vmem>>)
      tpu.yield
    }) : () -> ()
    "tpu.region"() ({
      %run_scoped3A = tpu.sem_alloc : memref<!tpu.dma_semaphore, #tpu.memory_space<semaphore_mem>>
      %dma_start3A_46 = arith.constant 0 : i32
      %dma_start3A_47 = tpu.memref_slice %arg4[%mul3A_11, %dma_start3A_46] : memref<2562x128xi32, #tpu.memory_space<hbm>> -> memref<80x128xi32, #tpu.memory_space<hbm>>
      %dma_start3A_48 = arith.constant 0 : i32
      %dma_start3A_49 = tpu.memref_slice %arg4[%mul3A_11, %dma_start3A_48] : memref<2562x128xi32, #tpu.memory_space<hbm>> -> memref<80x128xi32, #tpu.memory_space<hbm>>
      tpu.enqueue_dma source(%dma_start3A_49 : memref<80x128xi32, #tpu.memory_space<hbm>>) target(%arg8 : memref<80x128xi32, #tpu.memory_space<vmem>>) target_semaphore(%run_scoped3A : memref<!tpu.dma_semaphore, #tpu.memory_space<semaphore_mem>>)
      %dma_wait3A_50 = arith.constant 0 : i32
      %dma_wait3A_51 = tpu.memref_slice %arg4[%mul3A_11, %dma_wait3A_50] : memref<2562x128xi32, #tpu.memory_space<hbm>> -> memref<80x128xi32, #tpu.memory_space<hbm>>
      %dma_wait3A_52 = arith.constant 0 : i32
      %dma_wait3A_53 = tpu.memref_slice %arg4[%mul3A_11, %dma_wait3A_52] : memref<2562x128xi32, #tpu.memory_space<hbm>> -> memref<80x128xi32, #tpu.memory_space<hbm>>
      tpu.wait_dma2 semaphore(%run_scoped3A : memref<!tpu.dma_semaphore, #tpu.memory_space<semaphore_mem>>) src(%dma_wait3A_53 : memref<80x128xi32, #tpu.memory_space<hbm>>) dst(%arg8 : memref<80x128xi32, #tpu.memory_space<vmem>>)
      tpu.yield
    }) : () -> ()
    %barrier3A = arith.constant 0 : index
    tpu.barrier barrier_id(%barrier3A)
    %dma_start3A = arith.constant 0 : i32
    %dma_start3A_12 = arith.constant 0 : i32
    %dma_start3A_13 = tpu.memref_slice %arg7[%dma_start3A, %dma_start3A_12] : memref<82x128xi32, #tpu.memory_space<vmem>> -> memref<1x128xi32, #tpu.memory_space<vmem>>
    %dma_start3A_14 = tpu.memref_squeeze %dma_start3A_13 : memref<1x128xi32, #tpu.memory_space<vmem>> -> memref<128xi32, #tpu.memory_space<vmem>>
    %dma_start3A_15 = arith.constant 0 : i32
    %dma_start3A_16 = arith.constant 0 : i32
    %dma_start3A_17 = tpu.memref_slice %arg2[%dma_start3A_15, %dma_start3A_16] : memref<10240x64xf32, #tpu.memory_space<hbm>> -> memref<10240x64xf32, #tpu.memory_space<hbm>>
    tpu.enqueue_indirect_dma source(%dma_start3A_17 : memref<10240x64xf32, #tpu.memory_space<hbm>>) target(%arg9 : memref<128x64xf32, #tpu.memory_space<vmem>>) offsets(%dma_start3A_14 : memref<128xi32, #tpu.memory_space<vmem>>) semaphore(%arg12 : memref<!tpu.dma_semaphore, #tpu.memory_space<semaphore_mem>>)
    %dma_start3A_18 = arith.constant 1 : i32
    %dma_start3A_19 = arith.constant 0 : i32
    %dma_start3A_20 = tpu.memref_slice %arg7[%dma_start3A_18, %dma_start3A_19] : memref<82x128xi32, #tpu.memory_space<vmem>> -> memref<1x128xi32, #tpu.memory_space<vmem>>
    %dma_start3A_21 = tpu.memref_squeeze %dma_start3A_20 : memref<1x128xi32, #tpu.memory_space<vmem>> -> memref<128xi32, #tpu.memory_space<vmem>>
    %dma_start3A_22 = arith.constant 0 : i32
    %dma_start3A_23 = arith.constant 0 : i32
    %dma_start3A_24 = tpu.memref_slice %arg2[%dma_start3A_22, %dma_start3A_23] : memref<10240x64xf32, #tpu.memory_space<hbm>> -> memref<10240x64xf32, #tpu.memory_space<hbm>>
    tpu.enqueue_indirect_dma source(%dma_start3A_24 : memref<10240x64xf32, #tpu.memory_space<hbm>>) target(%arg10 : memref<128x64xf32, #tpu.memory_space<vmem>>) offsets(%dma_start3A_21 : memref<128xi32, #tpu.memory_space<vmem>>) semaphore(%arg13 : memref<!tpu.dma_semaphore, #tpu.memory_space<semaphore_mem>>)
    %scan3A = arith.constant 0 : i32
    %scan3A_25 = arith.constant 0 : i32
    %scan3A_26 = arith.constant 40 : i32
    %scan3A_27 = arith.addi %scan3A_25, %scan3A_26 : i32
    %scan3A_28 = arith.constant 1 : i32
    scf.for %scan3A_46 = %scan3A_25 to %scan3A_27 step %scan3A_28  : i32 {
      %mul3A_47 = arith.constant 2 : i32
      %mul3A_48 = arith.muli %mul3A_47, %scan3A_46 : i32
      %dma_wait3A_49 = arith.constant 0 : i32
      %dma_wait3A_50 = arith.constant 0 : i32
      %dma_wait3A_51 = tpu.memref_slice %arg2[%dma_wait3A_49, %dma_wait3A_50] : memref<10240x64xf32, #tpu.memory_space<hbm>> -> memref<128x64xf32, #tpu.memory_space<hbm>>
      %dma_wait3A_52 = arith.constant 0 : i32
      %dma_wait3A_53 = arith.constant 0 : i32
      %dma_wait3A_54 = tpu.memref_slice %arg2[%dma_wait3A_52, %dma_wait3A_53] : memref<10240x64xf32, #tpu.memory_space<hbm>> -> memref<128x64xf32, #tpu.memory_space<hbm>>
      tpu.wait_dma2 semaphore(%arg12 : memref<!tpu.dma_semaphore, #tpu.memory_space<semaphore_mem>>) src(%dma_wait3A_54 : memref<128x64xf32, #tpu.memory_space<hbm>>) dst(%arg9 : memref<128x64xf32, #tpu.memory_space<vmem>>)
      "tpu.region"() ({
        %run_scoped3A = tpu.sem_alloc : memref<!tpu.dma_semaphore, #tpu.memory_space<semaphore_mem>>
        %dma_start3A_79 = arith.constant 0 : i32
        %dma_start3A_80 = tpu.memref_slice %arg8[%mul3A_48, %dma_start3A_79] : memref<80x128xi32, #tpu.memory_space<vmem>> -> memref<1x128xi32, #tpu.memory_space<vmem>>
        %dma_start3A_81 = tpu.memref_squeeze %dma_start3A_80 : memref<1x128xi32, #tpu.memory_space<vmem>> -> memref<128xi32, #tpu.memory_space<vmem>>
        %dma_start3A_82 = arith.constant 0 : i32
        %dma_start3A_83 = arith.constant 0 : i32
        %dma_start3A_84 = tpu.memref_slice %arg11[%dma_start3A_82, %dma_start3A_83] : memref<10240x64xf32, #tpu.memory_space<vmem_shared>> -> memref<10240x64xf32, #tpu.memory_space<vmem_shared>>
        tpu.enqueue_indirect_dma source(%arg9 : memref<128x64xf32, #tpu.memory_space<vmem>>) target(%dma_start3A_84 : memref<10240x64xf32, #tpu.memory_space<vmem_shared>>) offsets(%dma_start3A_81 : memref<128xi32, #tpu.memory_space<vmem>>) semaphore(%run_scoped3A : memref<!tpu.dma_semaphore, #tpu.memory_space<semaphore_mem>>) {add = true}
        %dma_wait3A_85 = arith.constant 0 : i32
        %dma_wait3A_86 = tpu.memref_slice %arg8[%mul3A_48, %dma_wait3A_85] : memref<80x128xi32, #tpu.memory_space<vmem>> -> memref<1x128xi32, #tpu.memory_space<vmem>>
        %dma_wait3A_87 = tpu.memref_squeeze %dma_wait3A_86 : memref<1x128xi32, #tpu.memory_space<vmem>> -> memref<128xi32, #tpu.memory_space<vmem>>
        %dma_wait3A_88 = arith.constant 0 : i32
        %dma_wait3A_89 = arith.constant 0 : i32
        %dma_wait3A_90 = tpu.memref_slice %arg11[%dma_wait3A_88, %dma_wait3A_89] : memref<10240x64xf32, #tpu.memory_space<vmem_shared>> -> memref<10240x64xf32, #tpu.memory_space<vmem_shared>>
        tpu.wait_indirect_dma semaphore(%run_scoped3A : memref<!tpu.dma_semaphore, #tpu.memory_space<semaphore_mem>>) src(%arg9 : memref<128x64xf32, #tpu.memory_space<vmem>>) dst(%dma_wait3A_90 : memref<10240x64xf32, #tpu.memory_space<vmem_shared>>)
        tpu.yield
      }) : () -> ()
      %add3A_55 = arith.constant 2 : i32
      %add3A_56 = arith.addi %mul3A_48, %add3A_55 : i32
      %dma_start3A_57 = arith.constant 0 : i32
      %dma_start3A_58 = tpu.memref_slice %arg7[%add3A_56, %dma_start3A_57] : memref<82x128xi32, #tpu.memory_space<vmem>> -> memref<1x128xi32, #tpu.memory_space<vmem>>
      %dma_start3A_59 = tpu.memref_squeeze %dma_start3A_58 : memref<1x128xi32, #tpu.memory_space<vmem>> -> memref<128xi32, #tpu.memory_space<vmem>>
      %dma_start3A_60 = arith.constant 0 : i32
      %dma_start3A_61 = arith.constant 0 : i32
      %dma_start3A_62 = tpu.memref_slice %arg2[%dma_start3A_60, %dma_start3A_61] : memref<10240x64xf32, #tpu.memory_space<hbm>> -> memref<10240x64xf32, #tpu.memory_space<hbm>>
      tpu.enqueue_indirect_dma source(%dma_start3A_62 : memref<10240x64xf32, #tpu.memory_space<hbm>>) target(%arg9 : memref<128x64xf32, #tpu.memory_space<vmem>>) offsets(%dma_start3A_59 : memref<128xi32, #tpu.memory_space<vmem>>) semaphore(%arg12 : memref<!tpu.dma_semaphore, #tpu.memory_space<semaphore_mem>>)
      %dma_wait3A_63 = arith.constant 0 : i32
      %dma_wait3A_64 = arith.constant 0 : i32
      %dma_wait3A_65 = tpu.memref_slice %arg2[%dma_wait3A_63, %dma_wait3A_64] : memref<10240x64xf32, #tpu.memory_space<hbm>> -> memref<128x64xf32, #tpu.memory_space<hbm>>
      %dma_wait3A_66 = arith.constant 0 : i32
      %dma_wait3A_67 = arith.constant 0 : i32
      %dma_wait3A_68 = tpu.memref_slice %arg2[%dma_wait3A_66, %dma_wait3A_67] : memref<10240x64xf32, #tpu.memory_space<hbm>> -> memref<128x64xf32, #tpu.memory_space<hbm>>
      tpu.wait_dma2 semaphore(%arg13 : memref<!tpu.dma_semaphore, #tpu.memory_space<semaphore_mem>>) src(%dma_wait3A_68 : memref<128x64xf32, #tpu.memory_space<hbm>>) dst(%arg10 : memref<128x64xf32, #tpu.memory_space<vmem>>)
      %add3A_69 = arith.constant 1 : i32
      %add3A_70 = arith.addi %mul3A_48, %add3A_69 : i32
      "tpu.region"() ({
        %run_scoped3A = tpu.sem_alloc : memref<!tpu.dma_semaphore, #tpu.memory_space<semaphore_mem>>
        %dma_start3A_79 = arith.constant 0 : i32
        %dma_start3A_80 = tpu.memref_slice %arg8[%add3A_70, %dma_start3A_79] : memref<80x128xi32, #tpu.memory_space<vmem>> -> memref<1x128xi32, #tpu.memory_space<vmem>>
        %dma_start3A_81 = tpu.memref_squeeze %dma_start3A_80 : memref<1x128xi32, #tpu.memory_space<vmem>> -> memref<128xi32, #tpu.memory_space<vmem>>
        %dma_start3A_82 = arith.constant 0 : i32
        %dma_start3A_83 = arith.constant 0 : i32
        %dma_start3A_84 = tpu.memref_slice %arg11[%dma_start3A_82, %dma_start3A_83] : memref<10240x64xf32, #tpu.memory_space<vmem_shared>> -> memref<10240x64xf32, #tpu.memory_space<vmem_shared>>
        tpu.enqueue_indirect_dma source(%arg10 : memref<128x64xf32, #tpu.memory_space<vmem>>) target(%dma_start3A_84 : memref<10240x64xf32, #tpu.memory_space<vmem_shared>>) offsets(%dma_start3A_81 : memref<128xi32, #tpu.memory_space<vmem>>) semaphore(%run_scoped3A : memref<!tpu.dma_semaphore, #tpu.memory_space<semaphore_mem>>) {add = true}
        %dma_wait3A_85 = arith.constant 0 : i32
        %dma_wait3A_86 = tpu.memref_slice %arg8[%add3A_70, %dma_wait3A_85] : memref<80x128xi32, #tpu.memory_space<vmem>> -> memref<1x128xi32, #tpu.memory_space<vmem>>
        %dma_wait3A_87 = tpu.memref_squeeze %dma_wait3A_86 : memref<1x128xi32, #tpu.memory_space<vmem>> -> memref<128xi32, #tpu.memory_space<vmem>>
        %dma_wait3A_88 = arith.constant 0 : i32
        %dma_wait3A_89 = arith.constant 0 : i32
        %dma_wait3A_90 = tpu.memref_slice %arg11[%dma_wait3A_88, %dma_wait3A_89] : memref<10240x64xf32, #tpu.memory_space<vmem_shared>> -> memref<10240x64xf32, #tpu.memory_space<vmem_shared>>
        tpu.wait_indirect_dma semaphore(%run_scoped3A : memref<!tpu.dma_semaphore, #tpu.memory_space<semaphore_mem>>) src(%arg10 : memref<128x64xf32, #tpu.memory_space<vmem>>) dst(%dma_wait3A_90 : memref<10240x64xf32, #tpu.memory_space<vmem_shared>>)
        tpu.yield
      }) : () -> ()
      %add3A_71 = arith.constant 3 : i32
      %add3A_72 = arith.addi %mul3A_48, %add3A_71 : i32
      %dma_start3A_73 = arith.constant 0 : i32
      %dma_start3A_74 = tpu.memref_slice %arg7[%add3A_72, %dma_start3A_73] : memref<82x128xi32, #tpu.memory_space<vmem>> -> memref<1x128xi32, #tpu.memory_space<vmem>>
      %dma_start3A_75 = tpu.memref_squeeze %dma_start3A_74 : memref<1x128xi32, #tpu.memory_space<vmem>> -> memref<128xi32, #tpu.memory_space<vmem>>
      %dma_start3A_76 = arith.constant 0 : i32
      %dma_start3A_77 = arith.constant 0 : i32
      %dma_start3A_78 = tpu.memref_slice %arg2[%dma_start3A_76, %dma_start3A_77] : memref<10240x64xf32, #tpu.memory_space<hbm>> -> memref<10240x64xf32, #tpu.memory_space<hbm>>
      tpu.enqueue_indirect_dma source(%dma_start3A_78 : memref<10240x64xf32, #tpu.memory_space<hbm>>) target(%arg10 : memref<128x64xf32, #tpu.memory_space<vmem>>) offsets(%dma_start3A_75 : memref<128xi32, #tpu.memory_space<vmem>>) semaphore(%arg13 : memref<!tpu.dma_semaphore, #tpu.memory_space<semaphore_mem>>)
    }
    %scan3A_29 = arith.constant 40 : i32
    %dma_wait3A = arith.constant 0 : i32
    %dma_wait3A_30 = arith.constant 0 : i32
    %dma_wait3A_31 = tpu.memref_slice %arg2[%dma_wait3A, %dma_wait3A_30] : memref<10240x64xf32, #tpu.memory_space<hbm>> -> memref<128x64xf32, #tpu.memory_space<hbm>>
    %dma_wait3A_32 = arith.constant 0 : i32
    %dma_wait3A_33 = arith.constant 0 : i32
    %dma_wait3A_34 = tpu.memref_slice %arg2[%dma_wait3A_32, %dma_wait3A_33] : memref<10240x64xf32, #tpu.memory_space<hbm>> -> memref<128x64xf32, #tpu.memory_space<hbm>>
    tpu.wait_dma2 semaphore(%arg12 : memref<!tpu.dma_semaphore, #tpu.memory_space<semaphore_mem>>) src(%dma_wait3A_34 : memref<128x64xf32, #tpu.memory_space<hbm>>) dst(%arg9 : memref<128x64xf32, #tpu.memory_space<vmem>>)
    %dma_wait3A_35 = arith.constant 0 : i32
    %dma_wait3A_36 = arith.constant 0 : i32
    %dma_wait3A_37 = tpu.memref_slice %arg2[%dma_wait3A_35, %dma_wait3A_36] : memref<10240x64xf32, #tpu.memory_space<hbm>> -> memref<128x64xf32, #tpu.memory_space<hbm>>
    %dma_wait3A_38 = arith.constant 0 : i32
    %dma_wait3A_39 = arith.constant 0 : i32
    %dma_wait3A_40 = tpu.memref_slice %arg2[%dma_wait3A_38, %dma_wait3A_39] : memref<10240x64xf32, #tpu.memory_space<hbm>> -> memref<128x64xf32, #tpu.memory_space<hbm>>
    tpu.wait_dma2 semaphore(%arg13 : memref<!tpu.dma_semaphore, #tpu.memory_space<semaphore_mem>>) src(%dma_wait3A_40 : memref<128x64xf32, #tpu.memory_space<hbm>>) dst(%arg10 : memref<128x64xf32, #tpu.memory_space<vmem>>)
    %barrier3A_41 = arith.constant 0 : index
    tpu.barrier barrier_id(%barrier3A_41)
    %mul3A_42 = arith.constant 640 : i32
    %mul3A_43 = arith.muli %arg1, %mul3A_42 : i32
    %mul3A_44 = arith.constant 640 : i32
    %mul3A_45 = arith.muli %arg1, %mul3A_44 : i32
    "tpu.region"() ({
      %run_scoped3A = tpu.sem_alloc : memref<!tpu.dma_semaphore, #tpu.memory_space<semaphore_mem>>
      %dma_start3A_46 = arith.constant 0 : i32
      %dma_start3A_47 = tpu.memref_slice %arg6[%arg0, %mul3A_45, %dma_start3A_46] : memref<2x10240x64xf32, #tpu.memory_space<hbm>> -> memref<1x640x64xf32, #tpu.memory_space<hbm>>
      %dma_start3A_48 = tpu.memref_squeeze %dma_start3A_47 : memref<1x640x64xf32, #tpu.memory_space<hbm>> -> memref<640x64xf32, #tpu.memory_space<hbm>>
      %dma_start3A_49 = arith.constant 0 : i32
      %dma_start3A_50 = tpu.memref_slice %arg11[%mul3A_43, %dma_start3A_49] : memref<10240x64xf32, #tpu.memory_space<vmem_shared>> -> memref<640x64xf32, #tpu.memory_space<vmem_shared>>
      tpu.enqueue_dma source(%dma_start3A_50 : memref<640x64xf32, #tpu.memory_space<vmem_shared>>) target(%dma_start3A_48 : memref<640x64xf32, #tpu.memory_space<hbm>>) target_semaphore(%run_scoped3A : memref<!tpu.dma_semaphore, #tpu.memory_space<semaphore_mem>>)
      %dma_wait3A_51 = arith.constant 0 : i32
      %dma_wait3A_52 = tpu.memref_slice %arg6[%arg0, %mul3A_45, %dma_wait3A_51] : memref<2x10240x64xf32, #tpu.memory_space<hbm>> -> memref<1x640x64xf32, #tpu.memory_space<hbm>>
      %dma_wait3A_53 = tpu.memref_squeeze %dma_wait3A_52 : memref<1x640x64xf32, #tpu.memory_space<hbm>> -> memref<640x64xf32, #tpu.memory_space<hbm>>
      %dma_wait3A_54 = arith.constant 0 : i32
      %dma_wait3A_55 = tpu.memref_slice %arg11[%mul3A_43, %dma_wait3A_54] : memref<10240x64xf32, #tpu.memory_space<vmem_shared>> -> memref<640x64xf32, #tpu.memory_space<vmem_shared>>
      tpu.wait_dma2 semaphore(%run_scoped3A : memref<!tpu.dma_semaphore, #tpu.memory_space<semaphore_mem>>) src(%dma_wait3A_55 : memref<640x64xf32, #tpu.memory_space<vmem_shared>>) dst(%dma_wait3A_53 : memref<640x64xf32, #tpu.memory_space<hbm>>)
      tpu.yield
    }) : () -> ()
    return
  }
}

module attributes {stable_mosaic.version = 14 : i64} {
  func.func @_tc_g1_body(%arg0: memref<2x10240xf32, #tpu.memory_space<vmem>>, %arg1: memref<10000x128xf32, #tpu.memory_space<vmem>>, %arg2: memref<128x32xf32, #tpu.memory_space<vmem>>, %arg3: memref<10240x32xf32, #tpu.memory_space<vmem>>, %arg4: memref<10240xf32, #tpu.memory_space<vmem>>) attributes {dimension_semantics = [], scalar_prefetch = 0 : i64, scratch_operands = 0 : i64, tpu.core_type = #tpu.core_type<tc>} {
    %get3A = arith.constant 0 : index
    %get3A_0 = arith.constant 0 : index
    %get3A_1 = vector.load %arg0[%get3A, %get3A_0] : memref<2x10240xf32, #tpu.memory_space<vmem>>, vector<1x10240xf32>
    %get3A_2 = vector.shape_cast %get3A_1 : vector<1x10240xf32> to vector<10240xf32>
    %get3A_3 = arith.constant 1 : index
    %get3A_4 = arith.constant 0 : index
    %get3A_5 = vector.load %arg0[%get3A_3, %get3A_4] : memref<2x10240xf32, #tpu.memory_space<vmem>>, vector<1x10240xf32>
    %get3A_6 = vector.shape_cast %get3A_5 : vector<1x10240xf32> to vector<10240xf32>
    %add3A = arith.addf %get3A_2, %get3A_6 : vector<10240xf32>
    %add3A_7 = arith.constant 1.000000e+00 : f32
    %add3A_8 = vector.broadcast %add3A_7 : f32 to vector<10240xf32>
    %add3A_9 = arith.addf %add3A, %add3A_8 : vector<10240xf32>
    %rsqrt3A = math.rsqrt %add3A_9 : vector<10240xf32>
    %swap3A = arith.constant 0 : index
    %swap3A_10 = vector.load %arg4[%swap3A] : memref<10240xf32, #tpu.memory_space<vmem>>, vector<10240xf32>
    tpu.vector_store %arg4[%swap3A], %rsqrt3A {strides = array<i32>} : memref<10240xf32, #tpu.memory_space<vmem>>, vector<10240xf32>,
    %get3A_11 = arith.constant 0 : index
    %get3A_12 = arith.constant 0 : index
    %get3A_13 = vector.load %arg1[%get3A_11, %get3A_12] : memref<10000x128xf32, #tpu.memory_space<vmem>>, vector<10000x128xf32>
    %get3A_14 = arith.constant 0 : index
    %get3A_15 = arith.constant 0 : index
    %get3A_16 = vector.load %arg2[%get3A_14, %get3A_15] : memref<128x32xf32, #tpu.memory_space<vmem>>, vector<128x32xf32>
    %dot_general3A = arith.constant dense<0.000000e+00> : vector<10000x32xf32>
    %dot_general3A_17 = tpu.matmul %get3A_13, %get3A_16, %dot_general3A {dimension_numbers = #tpu.dot_dimension_numbers<[1], [0], [0], [1], [0, 0, 1, 1], [], []>, transpose_lhs_hint = false} : vector<10000x128xf32>, vector<128x32xf32>, vector<10000x32xf32> -> vector<10000x32xf32>
    %slice3A = vector.extract_strided_slice %rsqrt3A {offsets = [0], sizes = [10000], strides = [1]} : vector<10240xf32> to vector<10000xf32>
    %broadcast_in_dim3A = vector.shape_cast %slice3A : vector<10000xf32> to vector<10000x1xf32>
    %mul3A = vector.broadcast %broadcast_in_dim3A : vector<10000x1xf32> to vector<10000x32xf32>
    %mul3A_18 = arith.mulf %dot_general3A_17, %mul3A : vector<10000x32xf32>
    %swap3A_19 = arith.constant 0 : index
    %swap3A_20 = arith.constant 0 : index
    %swap3A_21 = vector.load %arg3[%swap3A_19, %swap3A_20] : memref<10240x32xf32, #tpu.memory_space<vmem>>, vector<10000x32xf32>
    tpu.vector_store %arg3[%swap3A_19, %swap3A_20], %mul3A_18 {strides = array<i32>} : memref<10240x32xf32, #tpu.memory_space<vmem>>, vector<10000x32xf32>,
    %broadcast_in_dim3A_22 = arith.constant 0.000000e+00 : f32
    %broadcast_in_dim3A_23 = vector.broadcast %broadcast_in_dim3A_22 : f32 to vector<240x32xf32>
    %swap3A_24 = arith.constant 10000 : index
    %swap3A_25 = arith.constant 0 : index
    %swap3A_26 = vector.load %arg3[%swap3A_24, %swap3A_25] : memref<10240x32xf32, #tpu.memory_space<vmem>>, vector<240x32xf32>
    tpu.vector_store %arg3[%swap3A_24, %swap3A_25], %broadcast_in_dim3A_23 {strides = array<i32>} : memref<10240x32xf32, #tpu.memory_space<vmem>>, vector<240x32xf32>,
    return
  }
}

module attributes {stable_mosaic.version = 14 : i64} {
  func.func @_tc_g2_body(%arg0: memref<2x10240x32xf32, #tpu.memory_space<vmem>>, %arg1: memref<10240xf32, #tpu.memory_space<vmem>>, %arg2: memref<32xf32, #tpu.memory_space<vmem>>, %arg3: memref<32x64xf32, #tpu.memory_space<vmem>>, %arg4: memref<10240x64xf32, #tpu.memory_space<vmem>>) attributes {dimension_semantics = [], scalar_prefetch = 0 : i64, scratch_operands = 0 : i64, tpu.core_type = #tpu.core_type<tc>} {
    %get3A = arith.constant 0 : index
    %get3A_0 = vector.load %arg1[%get3A] : memref<10240xf32, #tpu.memory_space<vmem>>, vector<10240xf32>
    %slice3A = vector.extract_strided_slice %get3A_0 {offsets = [0], sizes = [10000], strides = [1]} : vector<10240xf32> to vector<10000xf32>
    %get3A_1 = arith.constant 0 : index
    %get3A_2 = arith.constant 0 : index
    %get3A_3 = arith.constant 0 : index
    %get3A_4 = vector.load %arg0[%get3A_1, %get3A_2, %get3A_3] : memref<2x10240x32xf32, #tpu.memory_space<vmem>>, vector<1x10000x32xf32>
    %get3A_5 = vector.shape_cast %get3A_4 : vector<1x10000x32xf32> to vector<10000x32xf32>
    %get3A_6 = arith.constant 1 : index
    %get3A_7 = arith.constant 0 : index
    %get3A_8 = arith.constant 0 : index
    %get3A_9 = vector.load %arg0[%get3A_6, %get3A_7, %get3A_8] : memref<2x10240x32xf32, #tpu.memory_space<vmem>>, vector<1x10000x32xf32>
    %get3A_10 = vector.shape_cast %get3A_9 : vector<1x10000x32xf32> to vector<10000x32xf32>
    %add3A = arith.addf %get3A_5, %get3A_10 : vector<10000x32xf32>
    %broadcast_in_dim3A = vector.shape_cast %slice3A : vector<10000xf32> to vector<10000x1xf32>
    %mul3A = vector.broadcast %broadcast_in_dim3A : vector<10000x1xf32> to vector<10000x32xf32>
    %mul3A_11 = arith.mulf %add3A, %mul3A : vector<10000x32xf32>
    %get3A_12 = arith.constant 0 : index
    %get3A_13 = vector.load %arg2[%get3A_12] : memref<32xf32, #tpu.memory_space<vmem>>, vector<32xf32>
    %broadcast_in_dim3A_14 = vector.shape_cast %get3A_13 : vector<32xf32> to vector<1x32xf32>
    %add3A_15 = vector.broadcast %broadcast_in_dim3A_14 : vector<1x32xf32> to vector<10000x32xf32>
    %add3A_16 = arith.addf %mul3A_11, %add3A_15 : vector<10000x32xf32>
    %max3A = arith.constant 0.000000e+00 : f32
    %max3A_17 = vector.broadcast %max3A : f32 to vector<10000x32xf32>
    %max3A_18 = arith.maximumf %add3A_16, %max3A_17 : vector<10000x32xf32>
    %get3A_19 = arith.constant 0 : index
    %get3A_20 = arith.constant 0 : index
    %get3A_21 = vector.load %arg3[%get3A_19, %get3A_20] : memref<32x64xf32, #tpu.memory_space<vmem>>, vector<32x64xf32>
    %dot_general3A = arith.constant dense<0.000000e+00> : vector<10000x64xf32>
    %dot_general3A_22 = tpu.matmul %max3A_18, %get3A_21, %dot_general3A {dimension_numbers = #tpu.dot_dimension_numbers<[1], [0], [0], [1], [0, 0, 1, 1], [], []>, transpose_lhs_hint = false} : vector<10000x32xf32>, vector<32x64xf32>, vector<10000x64xf32> -> vector<10000x64xf32>
    %broadcast_in_dim3A_23 = vector.shape_cast %slice3A : vector<10000xf32> to vector<10000x1xf32>
    %mul3A_24 = vector.broadcast %broadcast_in_dim3A_23 : vector<10000x1xf32> to vector<10000x64xf32>
    %mul3A_25 = arith.mulf %dot_general3A_22, %mul3A_24 : vector<10000x64xf32>
    %swap3A = arith.constant 0 : index
    %swap3A_26 = arith.constant 0 : index
    %swap3A_27 = vector.load %arg4[%swap3A, %swap3A_26] : memref<10240x64xf32, #tpu.memory_space<vmem>>, vector<10000x64xf32>
    tpu.vector_store %arg4[%swap3A, %swap3A_26], %mul3A_25 {strides = array<i32>} : memref<10240x64xf32, #tpu.memory_space<vmem>>, vector<10000x64xf32>,
    %broadcast_in_dim3A_28 = arith.constant 0.000000e+00 : f32
    %broadcast_in_dim3A_29 = vector.broadcast %broadcast_in_dim3A_28 : f32 to vector<240x64xf32>
    %swap3A_30 = arith.constant 10000 : index
    %swap3A_31 = arith.constant 0 : index
    %swap3A_32 = vector.load %arg4[%swap3A_30, %swap3A_31] : memref<10240x64xf32, #tpu.memory_space<vmem>>, vector<240x64xf32>
    tpu.vector_store %arg4[%swap3A_30, %swap3A_31], %broadcast_in_dim3A_29 {strides = array<i32>} : memref<10240x64xf32, #tpu.memory_space<vmem>>, vector<240x64xf32>,
    return
  }
}

module attributes {stable_mosaic.version = 14 : i64} {
  func.func @_tc_h2_body(%arg0: memref<2x10240x64xf32, #tpu.memory_space<vmem>>, %arg1: memref<10240xf32, #tpu.memory_space<vmem>>, %arg2: memref<64xf32, #tpu.memory_space<vmem>>, %arg3: memref<10000x64xf32, #tpu.memory_space<vmem>>) attributes {dimension_semantics = [], scalar_prefetch = 0 : i64, scratch_operands = 0 : i64, tpu.core_type = #tpu.core_type<tc>} {
    %get3A = arith.constant 0 : index
    %get3A_0 = vector.load %arg1[%get3A] : memref<10240xf32, #tpu.memory_space<vmem>>, vector<10240xf32>
    %slice3A = vector.extract_strided_slice %get3A_0 {offsets = [0], sizes = [10000], strides = [1]} : vector<10240xf32> to vector<10000xf32>
    %get3A_1 = arith.constant 0 : index
    %get3A_2 = arith.constant 0 : index
    %get3A_3 = arith.constant 0 : index
    %get3A_4 = vector.load %arg0[%get3A_1, %get3A_2, %get3A_3] : memref<2x10240x64xf32, #tpu.memory_space<vmem>>, vector<1x10000x64xf32>
    %get3A_5 = vector.shape_cast %get3A_4 : vector<1x10000x64xf32> to vector<10000x64xf32>
    %get3A_6 = arith.constant 1 : index
    %get3A_7 = arith.constant 0 : index
    %get3A_8 = arith.constant 0 : index
    %get3A_9 = vector.load %arg0[%get3A_6, %get3A_7, %get3A_8] : memref<2x10240x64xf32, #tpu.memory_space<vmem>>, vector<1x10000x64xf32>
    %get3A_10 = vector.shape_cast %get3A_9 : vector<1x10000x64xf32> to vector<10000x64xf32>
    %add3A = arith.addf %get3A_5, %get3A_10 : vector<10000x64xf32>
    %broadcast_in_dim3A = vector.shape_cast %slice3A : vector<10000xf32> to vector<10000x1xf32>
    %mul3A = vector.broadcast %broadcast_in_dim3A : vector<10000x1xf32> to vector<10000x64xf32>
    %mul3A_11 = arith.mulf %add3A, %mul3A : vector<10000x64xf32>
    %get3A_12 = arith.constant 0 : index
    %get3A_13 = vector.load %arg2[%get3A_12] : memref<64xf32, #tpu.memory_space<vmem>>, vector<64xf32>
    %broadcast_in_dim3A_14 = vector.shape_cast %get3A_13 : vector<64xf32> to vector<1x64xf32>
    %add3A_15 = vector.broadcast %broadcast_in_dim3A_14 : vector<1x64xf32> to vector<10000x64xf32>
    %add3A_16 = arith.addf %mul3A_11, %add3A_15 : vector<10000x64xf32>
    %max3A = arith.constant 0.000000e+00 : f32
    %max3A_17 = vector.broadcast %max3A : f32 to vector<10000x64xf32>
    %max3A_18 = arith.maximumf %add3A_16, %max3A_17 : vector<10000x64xf32>
    %swap3A = arith.constant 0 : index
    %swap3A_19 = arith.constant 0 : index
    %swap3A_20 = vector.load %arg3[%swap3A, %swap3A_19] : memref<10000x64xf32, #tpu.memory_space<vmem>>, vector<10000x64xf32>
    tpu.vector_store %arg3[%swap3A, %swap3A_19], %max3A_18 {strides = array<i32>} : memref<10000x64xf32, #tpu.memory_space<vmem>>, vector<10000x64xf32>,
    return
  }
}

module attributes {stable_mosaic.version = 14 : i64} {
  func.func @_tc_head_body(%arg0: i32, %arg1: memref<1x25600xf32, #tpu.memory_space<vmem>>, %arg2: memref<25600x64xf32, #tpu.memory_space<vmem>>, %arg3: memref<1x64xf32, #tpu.memory_space<vmem>>, %arg4: memref<1x64xf32, #tpu.memory_space<vmem>>) attributes {dimension_semantics = [#tpu.dimension_semantics<arbitrary>], iteration_bounds = array<i64: 25>, scalar_prefetch = 0 : i64, scratch_operands = 0 : i64, tpu.core_type = #tpu.core_type<tc>, window_params = [{transform_indices = @transform_0, window_bounds = array<i64: 1, 25600>}, {transform_indices = @transform_1, window_bounds = array<i64: 25600, 64>}, {pipeline_mode = #tpu.pipeline_mode<synchronous>, transform_indices = @transform_2, window_bounds = array<i64: 1, 64>}, {pipeline_mode = #tpu.pipeline_mode<synchronous>, transform_indices = @transform_3, window_bounds = array<i64: 1, 64>}]} {
    %get3A = arith.constant 0 : index
    %get3A_0 = arith.constant 0 : index
    %get3A_1 = vector.load %arg1[%get3A, %get3A_0] : memref<1x25600xf32, #tpu.memory_space<vmem>>, vector<1x25600xf32>
    %get3A_2 = arith.constant 0 : index
    %get3A_3 = arith.constant 0 : index
    %get3A_4 = vector.load %arg2[%get3A_2, %get3A_3] : memref<25600x64xf32, #tpu.memory_space<vmem>>, vector<25600x64xf32>
    %dot_general3A = arith.constant dense<0.000000e+00> : vector<1x64xf32>
    %dot_general3A_5 = tpu.matmul %get3A_1, %get3A_4, %dot_general3A {dimension_numbers = #tpu.dot_dimension_numbers<[1], [0], [0], [1], [0, 0, 1, 1], [], []>, transpose_lhs_hint = false} : vector<1x25600xf32>, vector<25600x64xf32>, vector<1x64xf32> -> vector<1x64xf32>
    %eq3A = arith.constant 0 : i32
    %eq3A_6 = arith.cmpi eq, %arg0, %eq3A : i32
    %convert_element_type3A = arith.extui %eq3A_6 : i1 to i32
    %cond3A = arith.constant 0 : i32
    %cond3A_7 = arith.cmpi ne, %convert_element_type3A, %cond3A : i32
    scf.if %cond3A_7 {
      %swap3A = arith.constant 0 : index
      %swap3A_17 = arith.constant 0 : index
      %swap3A_18 = vector.load %arg4[%swap3A, %swap3A_17] : memref<1x64xf32, #tpu.memory_space<vmem>>, vector<1x64xf32>
      tpu.vector_store %arg4[%swap3A, %swap3A_17], %dot_general3A_5 {strides = array<i32>} : memref<1x64xf32, #tpu.memory_space<vmem>>, vector<1x64xf32>,
    } else {
    }
    %gt3A = arith.constant 0 : i32
    %gt3A_8 = arith.cmpi sgt, %arg0, %gt3A : i32
    %convert_element_type3A_9 = arith.extui %gt3A_8 : i1 to i32
    %cond3A_10 = arith.constant 0 : i32
    %cond3A_11 = arith.cmpi ne, %convert_element_type3A_9, %cond3A_10 : i32
    scf.if %cond3A_11 {
      %get3A_17 = arith.constant 0 : index
      %get3A_18 = arith.constant 0 : index
      %get3A_19 = vector.load %arg4[%get3A_17, %get3A_18] : memref<1x64xf32, #tpu.memory_space<vmem>>, vector<1x64xf32>
      %add3A = arith.addf %get3A_19, %dot_general3A_5 : vector<1x64xf32>
      %swap3A = arith.constant 0 : index
      %swap3A_20 = arith.constant 0 : index
      %swap3A_21 = vector.load %arg4[%swap3A, %swap3A_20] : memref<1x64xf32, #tpu.memory_space<vmem>>, vector<1x64xf32>
      tpu.vector_store %arg4[%swap3A, %swap3A_20], %add3A {strides = array<i32>} : memref<1x64xf32, #tpu.memory_space<vmem>>, vector<1x64xf32>,
    } else {
    }
    %eq3A_12 = arith.constant 24 : i32
    %eq3A_13 = arith.cmpi eq, %arg0, %eq3A_12 : i32
    %convert_element_type3A_14 = arith.extui %eq3A_13 : i1 to i32
    %cond3A_15 = arith.constant 0 : i32
    %cond3A_16 = arith.cmpi ne, %convert_element_type3A_14, %cond3A_15 : i32
    scf.if %cond3A_16 {
      %get3A_17 = arith.constant 0 : index
      %get3A_18 = arith.constant 0 : index
      %get3A_19 = vector.load %arg4[%get3A_17, %get3A_18] : memref<1x64xf32, #tpu.memory_space<vmem>>, vector<1x64xf32>
      %get3A_20 = arith.constant 0 : index
      %get3A_21 = arith.constant 0 : index
      %get3A_22 = vector.load %arg3[%get3A_20, %get3A_21] : memref<1x64xf32, #tpu.memory_space<vmem>>, vector<1x64xf32>
      %add3A = arith.addf %get3A_19, %get3A_22 : vector<1x64xf32>
      %reduce_max3A = arith.constant dense<0xFF800000> : vector<1xf32>
      %reduce_max3A_23 = vector.multi_reduction <maximumf>, %add3A, %reduce_max3A [1] : vector<1x64xf32> to vector<1xf32>
      %broadcast_in_dim3A = vector.shape_cast %reduce_max3A_23 : vector<1xf32> to vector<1x1xf32>
      %sub3A = vector.broadcast %broadcast_in_dim3A : vector<1x1xf32> to vector<1x64xf32>
      %sub3A_24 = arith.subf %add3A, %sub3A : vector<1x64xf32>
      %exp3A = math.exp %sub3A_24 : vector<1x64xf32>
      %reduce_sum3A = arith.constant dense<0.000000e+00> : vector<1xf32>
      %reduce_sum3A_25 = vector.multi_reduction <add>, %exp3A, %reduce_sum3A [1] : vector<1x64xf32> to vector<1xf32>
      %broadcast_in_dim3A_26 = vector.shape_cast %reduce_sum3A_25 : vector<1xf32> to vector<1x1xf32>
      %div3A = vector.broadcast %broadcast_in_dim3A_26 : vector<1x1xf32> to vector<1x64xf32>
      %div3A_27 = arith.divf %exp3A, %div3A : vector<1x64xf32>
      %swap3A = arith.constant 0 : index
      %swap3A_28 = arith.constant 0 : index
      %swap3A_29 = vector.load %arg4[%swap3A, %swap3A_28] : memref<1x64xf32, #tpu.memory_space<vmem>>, vector<1x64xf32>
      tpu.vector_store %arg4[%swap3A, %swap3A_28], %div3A_27 {strides = array<i32>} : memref<1x64xf32, #tpu.memory_space<vmem>>, vector<1x64xf32>,
    } else {
    }
    return
  }
  func.func @transform_0(%arg0: i32) -> (i32, i32) {
    %c0_i32 = arith.constant 0 : i32
    %c0_i32_0 = arith.constant 0 : i32
    return %c0_i32, %arg0 : i32, i32
  }
  func.func @transform_1(%arg0: i32) -> (i32, i32) {
    %c0_i32 = arith.constant 0 : i32
    %c0_i32_0 = arith.constant 0 : i32
    return %arg0, %c0_i32 : i32, i32
  }
  func.func @transform_2(%arg0: i32) -> (i32, i32) {
    %c0_i32 = arith.constant 0 : i32
    %c0_i32_0 = arith.constant 0 : i32
    %c0_i32_1 = arith.constant 0 : i32
    return %c0_i32, %c0_i32_0 : i32, i32
  }
  func.func @transform_3(%arg0: i32) -> (i32, i32) {
    %c0_i32 = arith.constant 0 : i32
    %c0_i32_0 = arith.constant 0 : i32
    %c0_i32_1 = arith.constant 0 : i32
    return %c0_i32, %c0_i32_0 : i32, i32
  }
}

</mosaic_0001>

<sc_bundles>
// kernel: kernel.12.cloned.1.call-start
scs
__scs_entry_jumppad:
0x0: {  	(pc) =	sbr.rel $0x88, $3  }
0x1: {  	(tag) =	ssettag $0x0;
	lr =	simm.s32 $0x1  }
0x2: {  	[smem:$0x3F99] =	sst lr;
	_ =	strace $0xD0000000  }
0x3: {  	_ = 	snop  }
0x4: {  	_ = 	snop  }
0x5: {  	_ = 	snop  }
0x6: {  	_ = 	snop  }
0x7: {  	_ = 	snop  }
__scs_overlays_trampoline_lowered:
0x8: {  	[smem:$0x3FA8] =	sst s0  }
0x9: {  	[smem:$0x3FA9] =	sst s1  }
0xa: {  	[smem:$0x3FAA] =	sst s2  }
0xb: {  	[smem:$0x3FAB] =	sst s3  }
0xc: {  	[smem:$0x3FAC] =	sst s4  }
0xd: {  	[smem:$0x3FAD] =	sst s5  }
0xe: {  	[smem:$0x3FAE] =	sst s6  }
0xf: {  	[smem:$0x3FAF] =	sst s7  }
0x10: {  	[smem:$0x3FB0] =	sst s8  }
0x11: {  	[smem:$0x3FB1] =	sst s9;
	s0 =	simm.s32 @!p0 $0x0  }
0x12: {  	s1 =	sld [smem:$0x3F97];
	s0 =	simm.s32 @p0 $0x1  }
0x13: {  	[smem:$0x3FB2] =	sst s0;
	s0 =	simm.s32 @!p1 $0x0  }
0x14: {  	s2 =	sld [smem:$0x3F96];
	s0 =	simm.s32 @p1 $0x1  }
0x15: {  	[smem:$0x3FB3] =	sst s0;
	s0 =	simm.s32 @!p2 $0x0  }
0x16: {  	s3 =	sld [smem:$0x3FDB];
	s0 =	simm.s32 @p2 $0x1  }
0x17: {  	s4 =	simm.s32 $0x1BF5;
	[smem:$0x3FB5] =	sst s0  }
0x18: {  	s0 =	sld [smem:$0x3F98];
	_ =	swait.ge [sflag:s4], $0x0  }
0x19: {  	s7 =	sld [smem:$0x3F99]  }
0x1a: {  	s8 =	sadd.s32 $0xFFFFE003, lr  }
0x1b: {  	s9 =	sadd.s32 $0xFFFFFEF7, lr;
	s5 =	simm.s32 $0xFFFFFFFF;
	p2 =	slt.u32 s8, $0xFFFFF086  }
0x1c: {  	p1 =	slt.u32 s9, $0xF7A;
	s5 =	simm.s32 @!p2 $0x0  }
0x1d: {  	s5 =	simm.s32 @p1 $0x1;
	p0 =	seq.s32 s7, s2  }
0x1e: {  	s7 =	smul.u32 @!p0 $0xF7A, s2;
	p2 =	seq.s32 @!p0 s5, $0x0  }
0x1f: {  	s9 =	smul.u32 $0xF7A, s1;
	s8 =	simm.s32 @!p0 $0x1BF5;
	p2 =	por !p2, p0  }
0x20: {  	[sflag:s8] =	ssyncset.s32 @!p0 $0xFFFFF086;
	s6 =	sadd.s32 @!p0 s3, s7;
	s7 =	simm.s32 @!p0 $0x108  }
0x21: {  	s3 =	sadd.s32 s3, s9;
	s6 =	sadd.s32 @!p0 $0x88, s6;
	s7 =	simm.s32 @p2 $0x1082  }
0x22: {  	[simem:s7], [sflag:s8] =	dma.local @!p0 [hbm:s6], $0xF7A  }
0x23: {  	s9 =	sor.u32 $0xD0000000, s2;
	s6 =	simm.s32 $0x108;
	_ =	swait.ge @!p0 [sflag:s8], $0x0  }
0x24: {  	s3 =	sadd.s32 $0x88, s3;
	s6 =	simm.s32 @!p1 $0x1082;
	[sflag:s4] =	ssyncset.s32 $0xFFFFF086  }
0x25: {  	[simem:s6], [sflag:s4] =	dma.local [hbm:s3], $0xF7A  }
0x26: {  	[smem:$0x3F99] =	sst s1;
	(tag) =	ssettag s2;
	_ =	strace s9  }
0x27: {  	s1 =	sld [smem:$0x3FA9]  }
0x28: {  	s2 =	sld [smem:$0x3FAA]  }
0x29: {  	s4 =	sld [smem:$0x3FAC]  }
0x2a: {  	p0 =	seq.s32 s5, $0x0;
	s5 =	sld [smem:$0x3FAD]  }
0x2b: {  	s6 =	sld [smem:$0x3FAE]  }
0x2c: {  	s7 =	sld [smem:$0x3FAF]  }
0x2d: {  	s3 =	simm.s32 $0x108;
	s8 =	sld [smem:$0x3FB0]  }
0x2e: {  	s3 =	simm.s32 @!p0 $0x1082;
	s9 =	sld [smem:$0x3FB1]  }
0x2f: {  	lr =	sadd.s32 s0, s3;
	s0 =	sld [smem:$0x3FA8]  }
0x30: {  	s3 =	sld [smem:$0x3FAB]  }
0x31: {  	[smem:$0x3FB4] =	sst s10  }
0x32: {  	s10 =	sld [smem:$0x3FB2];
	_ =	sdelay $0x3  }
0x33: {  	p0 =	seq.s32 s10, $0x1;
	s10 =	sld [smem:$0x3FB4];
	_ =	sdelay $0x3  }
0x34: {  	[smem:$0x3FB4] =	sst s10  }
0x35: {  	s10 =	sld [smem:$0x3FB3];
	_ =	sdelay $0x3  }
0x36: {  	p1 =	seq.s32 s10, $0x1;
	s10 =	sld [smem:$0x3FB4];
	_ =	sdelay $0x3  }
0x37: {  	[smem:$0x3FB4] =	sst s10  }
0x38: {  	s10 =	sld [smem:$0x3FB5]  }
0x39: {  	_ = 	snop;
	(pc) =	sbr.ind lr, $3  }
0x3a: {  	_ = 	snop  }
0x3b: {  	_ = 	snop  }
0x3c: {  	p2 =	seq.s32 s10, $0x1;
	s10 =	sld [smem:$0x3FB4]  }
0x3d: {  	_ =	shalt  }
0x3e: {  	_ =	shalt  }
0x3f: {  	_ =	shalt  }
0x40: {  	_ =	shalt  }
0x41: {  	_ =	shalt  }
0x42: {  	_ =	shalt  }
0x43: {  	_ =	shalt  }
0x44: {  	_ =	shalt  }
0x45: {  	_ =	shalt  }
0x46: {  	_ =	shalt  }
0x47: {  	_ =	shalt  }
0x48: {  	_ =	shalt  }
0x49: {  	_ =	shalt  }
0x4a: {  	_ =	shalt  }
0x4b: {  	_ =	shalt  }
0x4c: {  	_ =	shalt  }
0x4d: {  	_ =	shalt  }
0x4e: {  	_ =	shalt  }
0x4f: {  	_ =	shalt  }
0x50: {  	_ =	shalt  }
0x51: {  	_ =	shalt  }
0x52: {  	_ =	shalt  }
0x53: {  	_ =	shalt  }
0x54: {  	_ =	shalt  }
0x55: {  	_ =	shalt  }
0x56: {  	_ =	shalt  }
0x57: {  	_ =	shalt  }
0x58: {  	_ =	shalt  }
0x59: {  	_ =	shalt  }
0x5a: {  	_ =	shalt  }
0x5b: {  	_ =	shalt  }
0x5c: {  	_ =	shalt  }
0x5d: {  	_ =	shalt  }
0x5e: {  	_ =	shalt  }
0x5f: {  	_ =	shalt  }
0x60: {  	_ =	shalt  }
0x61: {  	_ =	shalt  }
0x62: {  	_ =	shalt  }
0x63: {  	_ =	shalt  }
0x64: {  	_ =	shalt  }
0x65: {  	_ =	shalt  }
0x66: {  	_ =	shalt  }
0x67: {  	_ =	shalt  }
0x68: {  	_ =	shalt  }
0x69: {  	_ =	shalt  }
0x6a: {  	_ =	shalt  }
0x6b: {  	_ =	shalt  }
0x6c: {  	_ =	shalt  }
0x6d: {  	_ =	shalt  }
0x6e: {  	_ =	shalt  }
0x6f: {  	_ =	shalt  }
0x70: {  	_ =	shalt  }
0x71: {  	_ =	shalt  }
0x72: {  	_ =	shalt  }
0x73: {  	_ =	shalt  }
0x74: {  	_ =	shalt  }
0x75: {  	_ =	shalt  }
0x76: {  	_ =	shalt  }
0x77: {  	_ =	shalt  }
0x78: {  	_ =	shalt  }
0x79: {  	_ =	shalt  }
0x7a: {  	_ =	shalt  }
0x7b: {  	_ =	shalt  }
0x7c: {  	_ =	shalt  }
0x7d: {  	_ =	shalt  }
0x7e: {  	_ =	shalt  }
0x7f: {  	_ =	shalt  }
0x80: {  	_ =	shalt  }
0x81: {  	_ =	shalt  }
0x82: {  	_ =	shalt  }
0x83: {  	_ =	shalt  }
0x84: {  	_ =	shalt  }
0x85: {  	_ =	shalt  }
0x86: {  	_ =	shalt  }
0x87: {  	_ =	shalt  }
.Lfunc_end0:
.L_simem_size_0:
called_computation.1_lowered:
.L_overlay_start_0:
0x88: {  	s2 =	sld [smem:$0x3FD9]  }
0x89: {  	s3 =	sld [smem:$0x3FFE];
	_ =	sdelay $0x1  }
0x8a: {  	s1 =	srdreg.scid  }
0x8b: {  	s0 =	sand.u32 $0x1, s1  }
0x8c: {  	s16 =	sshll.u32 s0, $0xA;
	s2 =	sadd.s32 s3, s2  }
0x8d: {  	s2 =	sadd.s32 s2, s16  }
0x8e: {  	[smem:$0x3FC0] =	sst s2  }
0x8f: {  	_ = 	snop  }
0x90: {  	(tm) =	ssettm $0x1  }
0x91: {  	s17 =	sld [smem:$0x3FFB];
	_ =	sdelay $0x3  }
0x92: {  	_ =	strace s17  }
0x93: {  	s2 =	sld [smem:$0x3FFC];
	_ =	sdelay $0x3  }
0x94: {  	_ =	strace s2  }
0x95: {  	s2 =	sld [smem:$0x3FFD];
	_ =	sdelay $0x3  }
0x96: {  	_ =	strace s2  }
0x97: {  	_ =	strace $0x8FFFFFFF  }
0x98: {  	s18 =	sld [smem:$0x3FDB];
	_ =	sdelay $0x1  }
0x99: {  	s19 =	simm.s32 $_scs_section_size  }
0x9a: {  	s4 =	simm.s32 $_size__tile_overlayer_lowered;
	s5 =	simm.s32 $_tile_overlayer_lowered  }
0x9b: {  	s22 =	simm.s32 $0x1BFF;
	s21 =	sshll.u32 s5, $0x1;
	s2 =	sadd.s32 s19, s18  }
0x9c: {  	s6 =	simm.s32 $0x0;
	s20 =	sshll.u32 s4, $0x1;
	s4 =	sadd.s32 s21, s2  }
0x9d: {  	[timem:s6], [sflag:s22] =	dma.local [hbm:s4], s20  }
0x9e: {  	_ =	swait.ge [sflag:s22], s20  }
0x9f: {  	s3 =	ssub.s32 $0x0, s20;
	[sflag:s22] =	ssyncset.done $0x0  }
0xa0: {  	[sflag:s22] =	ssyncadd.s32 s3;
	_ =	sdelay $0x1  }
0xa1: {  	s23 =	simm.s32 $0x1B8B  }
0xa2: {  	_ =	swait.ge [sflag:s23], $0x1  }
0xa3: {  	[sflag:s23] =	ssyncset.done $0x0  }
0xa4: {  	s25 =	simm.s32 $0x1B8E;
	s24 =	sld [smem:$0x3FFE];
	[sflag:s23] =	ssyncadd.s32 $0xFFFFFFFF  }
0xa5: {  	s26 =	simm.s32 $execute0_lowered;
	[smem:$0x3FD2] =	sst s25  }
0xa6: {  	s4 =	sshll.u32 s26, $0x1;
	_ =	strace $0x80000049;
	[dreg:$0x1] =	wrdreg $0xFFFFFFFF  }
0xa7: {  	s28 =	simm.s32 $_size_execute0_lowered;
	s2 =	sadd.s32 s2, s4;
	[dreg:$0x0] =	wrdreg $0x0  }
0xa8: {  	s4 =	sshll.u32 s28, $0x1;
	[dreg:$0x2] =	wrdreg s2  }
0xa9: {  	[dreg:$0x3] =	wrdreg s4  }
0xaa: {  	[dreg:$0x4] =	wrdreg $0xC0  }
0xab: {  	_ =	task [dreg:s6], $0x5FFFF  }
0xac: {  	[dreg:$0x1] =	wrdreg $0xFFFFFFFF  }
0xad: {  	[dreg:$0x0] =	wrdreg $0x60  }
0xae: {  	[dreg:$0x2] =	wrdreg s24  }
0xaf: {  	[dreg:$0x3] =	wrdreg $0x71000  }
0xb0: {  	[dreg:$0x4] =	wrdreg $0x9  }
0xb1: {  	_ =	task.clear_ibuf [dreg:s6], $0x5FFFF;
	_ =	strace $0x90000049  }
0xb2: {  	s29 =	simm.s32 $0x9;
	_ =	strace $0x8000004B  }
0xb3: {  	_ =	swait.ge [sflag:s29], $0x1  }
0xb4: {  	[sflag:s29] =	ssyncadd.s32 $0xFFFFFFFF  }
0xb5: {  	_ =	strace $0x9000004B  }
0xb6: {  	_ =	sfence  }
0xb7: {  	s30 =	sld [smem:$0x0];
	_ =	sdelay $0x2  }
0xb8: {  	s31 =	sshll.u32 s1, $0xD;
	s1 =	sshrl.u32 s1, $0x2  }
0xb9: {  	s3 =	sand.u32 $0x4000, s31;
	s1 =	sadd.s32 s1, s30  }
0xba: {  	s0 =	sor.u32 s3, s0;
	s1 =	sshll.u32 s1, $0x11  }
0xbb: {  	s0 =	sor.u32 s1, s0  }
0xbc: {  	s0 =	sadd.s32 $0x8F2B, s0  }
0xbd: {  	[sflag:s0] =	ssyncadd.remote.s32 $0x1  }
0xbe: {  	_ =	sfence.sel $0xFFFF  }
0xbf: {  	[dreg:$0x0] =	wrdreg $0xFFFFFFFF;
	(pc) =	sbr.abs _section_cstart, $3  }
0xc0: {  	[dreg:$0x1] =	wrdreg $0xFFFFFFFF  }
0xc1: {  	_ =	task.clear_ibuf [dreg:s6], $0x2FFFF;
	_ =	strace $0x9FFFFFFF  }
0xc2: {  	(tm) =	ssettm $0x7FFFFFFF  }
0xc3: {  	_ =	shalt  }
tec
execute0_lowered:
.L_overlay_start_1:
0x0: {  	(tag) =	ssettag $0x1  }
0x1: {  	s5 =	rddreg [dreg:$0x0]  }
0x2: {  	s2 =	rddreg [dreg:$0x1]  }
0x3: {  	s0 =	rddreg [dreg:$0x2]  }
0x4: {  	s3 =	srdreg.scid;
	s1 =	stileid.u32  }
0x5: {  	s14 =	simm.s32 $0x80;
	s15 =	simm.s32 $0x5100;
	s16 =	simm.s32 $0x6100  }
0x6: {  	s17 =	simm.s32 $0x1;
	s18 =	simm.s32 $0x2;
	s19 =	simm.s32 $0x0  }
0x7: {  	s6 =	sand.u32 $0x1, s3;
	s4 =	sshll.u32 s1, $0x1;
	s7 =	smul.u32 $0x5000, s1  }
0x8: {  	s3 =	simm.s32 $0x0;
	s11 =	sadd.s32 $0x20800, s5;
	s31 =	sshll.u32 s1, $0x6  }
0x9: {  	s4 =	sor.u32 s6, s4;
	s8 =	smul.u32 $0x50000, s6;
	[smem:$0x7FF] =	sst s3  }
0xa: {  	s10 =	ssub.s32 $0x2, s6;
	p0 =	seq.s32 s6, $0x1;
	s9 =	smul.u32 $0x500, s4  }
0xb: {  	_ =	strace $0x8000004A;
	s4 =	sadd.s32 $0x16800, s5;
	s8 =	sadd.s32 s7, s8  }
0xc: {  	s30 =	sshrl.u32 s10, $0x1;
	s12 =	sadd.s32 s7, s2;
	s8 =	sshrl.u32 s8, $0x3  }
0xd: {  	s13 =	sshrl.u32 s7, $0x3;
	s9 =	sadd.s32 s9, s5;
	s8 =	sadd.s32 s8, s5  }
0xe: {  	s5 =	sadd.s32 $0x1E00, s9;
	s6 =	sadd.s32 $0xC000, s9;
	s9 =	smov.u32 s4  }
0xf: {  	s10 =	ssub.s32 s10, s30;
	s7 =	sadd.s32 $0x2A800, s8;
	s9 =	smov.u32 @p0 s11  }
0x10: {  	s8 =	smax.u32 s10, $0x1;
	s10 =	sor.u32 $0x1C03, s31;
	s11 =	sshrl.u32 s12, $0x3  }
0x11: {  	s12 =	simm.s32 $0x3;
	s9 =	sadd.s32 s9, s13;
	s13 =	simm.s32 $0x2900  }
.LBB2_1:
0x12: {  	[spmem:s11], [sflag:s10] =	dma.local [hbm:s9], $0xA00  }
0x13: {  	_ =	swait.ge [sflag:s12], $0xA00  }
0x14: {  	[sflag:s12] =	ssyncset.done $0x0  }
0x15: {  	[sflag:s12] =	ssyncadd.s32 $0xFFFFF600  }
0x16: {  	[tilespmem:s3], [sflag:$0x3] =	stream.linear.gather [hbm4b:s5+s3], $0x2900, $0x38;
	[tilespmem:$0xC100] =	vst v63  }
0x17: {  	_ =	swait.ge [sflag:s12], $0x2900  }
0x18: {  	[sflag:s12] =	ssyncset.done $0x0  }
0x19: {  	[sflag:s12] =	ssyncadd.s32 $0xFFFFD700  }
0x1a: {  	[tilespmem:s13], [sflag:$0x3] =	stream.linear.gather [hbm4b:s6+s3], $0x2800, $0x38;
	[tilespmem:$0xC100] =	vst v63  }
0x1b: {  	_ =	swait.ge [sflag:s12], $0x2800  }
0x1c: {  	[sflag:s12] =	ssyncset.done $0x0  }
0x1d: {  	[sflag:s12] =	ssyncadd.s32 $0xFFFFD800  }
0x1e: {  	[bflag:$0x0] =	sbarrier.arrive $0xFFFF  }
0x1f: {  	[tilespmem:s15], [sflag:$0x1] =	stream.indirect.gather [hbm4b:s4+s14], $0x20, s3, s14, $0xb8;
	[tilespmem:$0xC100] =	vst v63  }
0x20: {  	_ = 	snop  }
0x21: {  	[tilespmem:s16], [sflag:$0x2] =	stream.indirect.gather [hbm4b:s4+s14], $0x20, s14, s14, $0xb8;
	[tilespmem:$0xC100] =	vst v63  }
0x22: {  	_ =	swait.ge [sflag:s17], $0x1000  }
0x23: {  	[sflag:s17] =	ssyncset.done $0x0  }
0x24: {  	s20 =	simm.s32 $0x2900;
	[sflag:s17] =	ssyncadd.s32 $0xFFFFF000  }
0x25: {  	[spmem:s2] =	stream.indirect.scatter.add.f32 [tilespmem:s15], [sflag:$0x3], $0x20, s20, s14, $0xb8;
	[tilespmem:$0xC100] =	vst v63  }
0x26: {  	_ =	swait.ge [sflag:s12], $0x1000  }
0x27: {  	[sflag:s12] =	ssyncset.done $0x0  }
0x28: {  	s30 =	simm.s32 $0x100;
	[sflag:s12] =	ssyncadd.s32 $0xFFFFF000  }
0x29: {  	[tilespmem:s15], [sflag:$0x1] =	stream.indirect.gather [hbm4b:s4+s14], $0x20, s30, s14, $0xb8;
	[tilespmem:$0xC100] =	vst v63  }
0x2a: {  	_ =	swait.ge [sflag:s18], $0x1000  }
0x2b: {  	[sflag:s18] =	ssyncset.done $0x0  }
0x2c: {  	s31 =	simm.s32 $0x2980;
	[sflag:s18] =	ssyncadd.s32 $0xFFFFF000  }
0x2d: {  	[spmem:s2] =	stream.indirect.scatter.add.f32 [tilespmem:s16], [sflag:$0x3], $0x20, s31, s14, $0xb8;
	[tilespmem:$0xC100] =	vst v63  }
0x2e: {  	_ =	swait.ge [sflag:s12], $0x1000  }
0x2f: {  	[sflag:s12] =	ssyncset.done $0x0  }
0x30: {  	s21 =	simm.s32 $0x180;
	s20 =	simm.s32 $0x400;
	[sflag:s12] =	ssyncadd.s32 $0xFFFFF000  }
.LBB2_2:
0x31: {  	[tilespmem:s16], [sflag:$0x2] =	stream.indirect.gather [hbm4b:s4+s14], $0x20, s21, s14, $0xb8;
	[tilespmem:$0xC100] =	vst v63  }
0x32: {  	s21 =	smov.u32 s20  }
0x33: {  	p0 =	sne.s32 s20, $0x9C00;
	s20 =	sadd.s32 $0x400, s20;
	_ =	swait.ge [sflag:s17], $0x1000  }
0x34: {  	s21 =	sshra.s32 s21, $0x2;
	[sflag:s17] =	ssyncset.done $0x0  }
0x35: {  	s22 =	sadd.s32 $0x2900, s21;
	[sflag:s17] =	ssyncadd.s32 $0xFFFFF000  }
0x36: {  	[spmem:s2] =	stream.indirect.scatter.add.f32 [tilespmem:s15], [sflag:$0x3], $0x20, s22, s14, $0xb8;
	[tilespmem:$0xC100] =	vst v63  }
0x37: {  	_ =	swait.ge [sflag:s12], $0x1000  }
0x38: {  	[sflag:s12] =	ssyncset.done $0x0  }
0x39: {  	s22 =	sadd.s32 $0x100, s21;
	[sflag:s12] =	ssyncadd.s32 $0xFFFFF000  }
0x3a: {  	[tilespmem:s15], [sflag:$0x1] =	stream.indirect.gather [hbm4b:s4+s14], $0x20, s22, s14, $0xb8;
	[tilespmem:$0xC100] =	vst v63  }
0x3b: {  	_ =	swait.ge [sflag:s18], $0x1000  }
0x3c: {  	[sflag:s18] =	ssyncset.done $0x0  }
.Ltmp0:
0x3d: {  	s22 =	sadd.s32 $0x2980, s21;
	[sflag:s18] =	ssyncadd.s32 $0xFFFFF000;
	(pc) =	sbr.rel @p0 .LBB2_2-.Ltmp0, $4  }
0x3e: {  	[spmem:s2] =	stream.indirect.scatter.add.f32 [tilespmem:s16], [sflag:$0x3], $0x20, s22, s14, $0xb8;
	[tilespmem:$0xC100] =	vst v63  }
0x3f: {  	_ =	swait.ge [sflag:s12], $0x1000  }
0x40: {  	[sflag:s12] =	ssyncset.done $0x0  }
0x41: {  	s21 =	sadd.s32 $0x180, s21;
	[sflag:s12] =	ssyncadd.s32 $0xFFFFF000  }
0x42: {  	[tilespmem:s16], [sflag:$0x2] =	stream.indirect.gather [hbm4b:s4+s14], $0x20, s21, s14, $0xb8;
	[tilespmem:$0xC100] =	vst v63  }
0x43: {  	_ =	swait.ge [sflag:s17], $0x1000  }
0x44: {  	[sflag:s17] =	ssyncset.done $0x0  }
0x45: {  	[sflag:s17] =	ssyncadd.s32 $0xFFFFF000  }
0x46: {  	_ =	swait.ge [sflag:s18], $0x1000  }
0x47: {  	s19 =	sadd.s32 $0x1, s19;
	[sflag:s18] =	ssyncset.done $0x0  }
0x48: {  	p0 =	sne.s32 s19, s8;
	[sflag:s18] =	ssyncadd.s32 $0xFFFFF000  }
.Ltmp1:
0x49: {  	[bflag:$0x0] =	sbarrier.arrive $0xFFFF;
	(pc) =	sbr.rel @p0 .LBB2_1-.Ltmp1, $4  }
0x4a: {  	[hbm:s7], [sflag:s10] =	dma.local [spmem:s11], $0xA00  }
0x4b: {  	_ =	swait.ge [sflag:s12], $0xA00  }
0x4c: {  	[sflag:s12] =	ssyncset.done $0x0  }
0x4d: {  	[sflag:s12] =	ssyncadd.s32 $0xFFFFF600  }
0x4e: {  	_ =	sfence.sel $0x180000  }
0x4f: {  	[bflag:$0x0] =	sbarrier.arrive $0xFFFF  }
0x50: {  	p0 =	sne.s32 s1, $0x0;
	_ =	strace $0x9000004A  }
0x51: {  	s0 =	sadd.s32 @!p0 $0x100000, s0;
	[bflag:$0x2] =	sbarrier.arrive $0xFFFF  }
0x52: {  	[sflag:s0] =	ssyncadd.tile.s32 @!p0 $0x1;
	_ =	shalt  }
.Lfunc_end2:
_tile_overlayer_lowered:
.L_overlay_start_2:
0x53: {  	(tag) =	ssettag $0x2  }
0x54: {  	s0 =	rddreg [dreg:$0x0];
	s2 =	stileid.u32  }
0x55: {  	s1 =	rddreg [dreg:$0x1];
	p0 =	sne.s32 s2, $0x0  }
0x56: {  	s3 =	rddreg [dreg:$0x2];
	[bflag:$0x3] =	sbarrier.arrive $0xFFFF;
	s2 =	simm.s32 @!p0 $0x1C03  }
0x57: {  	[timem:s3], [sflag:s2] =	dma.local @!p0 [hbm:s0], s1  }
0x58: {  	s0 =	simm.s32 @!p0 $0x3  }
0x59: {  	_ =	swait.ge @!p0 [sflag:s0], s1  }
0x5a: {  	s1 =	ssub.s32 @!p0 $0x0, s1;
	[sflag:s0] =	ssyncset.done @!p0 $0x0  }
0x5b: {  	[sflag:s0] =	ssyncadd.s32 @!p0 s1  }
0x5c: {  	[bflag:$0x3] =	sbarrier.arrive $0xFFFF  }
0x5d: {  	_ =	shalt  }

// kernel: kernel.15.cloned.1.call-start
scs
__scs_entry_jumppad:
0x0: {  	(pc) =	sbr.rel $0x88, $3  }
0x1: {  	(tag) =	ssettag $0x0;
	lr =	simm.s32 $0x1  }
0x2: {  	[smem:$0x3F99] =	sst lr;
	_ =	strace $0xD0000000  }
0x3: {  	_ = 	snop  }
0x4: {  	_ = 	snop  }
0x5: {  	_ = 	snop  }
0x6: {  	_ = 	snop  }
0x7: {  	_ = 	snop  }
__scs_overlays_trampoline_lowered:
0x8: {  	[smem:$0x3FA8] =	sst s0  }
0x9: {  	[smem:$0x3FA9] =	sst s1  }
0xa: {  	[smem:$0x3FAA] =	sst s2  }
0xb: {  	[smem:$0x3FAB] =	sst s3  }
0xc: {  	[smem:$0x3FAC] =	sst s4  }
0xd: {  	[smem:$0x3FAD] =	sst s5  }
0xe: {  	[smem:$0x3FAE] =	sst s6  }
0xf: {  	[smem:$0x3FAF] =	sst s7  }
0x10: {  	[smem:$0x3FB0] =	sst s8  }
0x11: {  	[smem:$0x3FB1] =	sst s9;
	s0 =	simm.s32 @!p0 $0x0  }
0x12: {  	s1 =	sld [smem:$0x3F97];
	s0 =	simm.s32 @p0 $0x1  }
0x13: {  	[smem:$0x3FB2] =	sst s0;
	s0 =	simm.s32 @!p1 $0x0  }
0x14: {  	s2 =	sld [smem:$0x3F96];
	s0 =	simm.s32 @p1 $0x1  }
0x15: {  	[smem:$0x3FB3] =	sst s0;
	s0 =	simm.s32 @!p2 $0x0  }
0x16: {  	s3 =	sld [smem:$0x3FDB];
	s0 =	simm.s32 @p2 $0x1  }
0x17: {  	s4 =	simm.s32 $0x1BF5;
	[smem:$0x3FB5] =	sst s0  }
0x18: {  	s0 =	sld [smem:$0x3F98];
	_ =	swait.ge [sflag:s4], $0x0  }
0x19: {  	s7 =	sld [smem:$0x3F99]  }
0x1a: {  	s8 =	sadd.s32 $0xFFFFE003, lr  }
0x1b: {  	s9 =	sadd.s32 $0xFFFFFEF7, lr;
	s5 =	simm.s32 $0xFFFFFFFF;
	p2 =	slt.u32 s8, $0xFFFFF086  }
0x1c: {  	p1 =	slt.u32 s9, $0xF7A;
	s5 =	simm.s32 @!p2 $0x0  }
0x1d: {  	s5 =	simm.s32 @p1 $0x1;
	p0 =	seq.s32 s7, s2  }
0x1e: {  	s7 =	smul.u32 @!p0 $0xF7A, s2;
	p2 =	seq.s32 @!p0 s5, $0x0  }
0x1f: {  	s9 =	smul.u32 $0xF7A, s1;
	s8 =	simm.s32 @!p0 $0x1BF5;
	p2 =	por !p2, p0  }
0x20: {  	[sflag:s8] =	ssyncset.s32 @!p0 $0xFFFFF086;
	s6 =	sadd.s32 @!p0 s3, s7;
	s7 =	simm.s32 @!p0 $0x108  }
0x21: {  	s3 =	sadd.s32 s3, s9;
	s6 =	sadd.s32 @!p0 $0x88, s6;
	s7 =	simm.s32 @p2 $0x1082  }
0x22: {  	[simem:s7], [sflag:s8] =	dma.local @!p0 [hbm:s6], $0xF7A  }
0x23: {  	s9 =	sor.u32 $0xD0000000, s2;
	s6 =	simm.s32 $0x108;
	_ =	swait.ge @!p0 [sflag:s8], $0x0  }
0x24: {  	s3 =	sadd.s32 $0x88, s3;
	s6 =	simm.s32 @!p1 $0x1082;
	[sflag:s4] =	ssyncset.s32 $0xFFFFF086  }
0x25: {  	[simem:s6], [sflag:s4] =	dma.local [hbm:s3], $0xF7A  }
0x26: {  	[smem:$0x3F99] =	sst s1;
	(tag) =	ssettag s2;
	_ =	strace s9  }
0x27: {  	s1 =	sld [smem:$0x3FA9]  }
0x28: {  	s2 =	sld [smem:$0x3FAA]  }
0x29: {  	s4 =	sld [smem:$0x3FAC]  }
0x2a: {  	p0 =	seq.s32 s5, $0x0;
	s5 =	sld [smem:$0x3FAD]  }
0x2b: {  	s6 =	sld [smem:$0x3FAE]  }
0x2c: {  	s7 =	sld [smem:$0x3FAF]  }
0x2d: {  	s3 =	simm.s32 $0x108;
	s8 =	sld [smem:$0x3FB0]  }
0x2e: {  	s3 =	simm.s32 @!p0 $0x1082;
	s9 =	sld [smem:$0x3FB1]  }
0x2f: {  	lr =	sadd.s32 s0, s3;
	s0 =	sld [smem:$0x3FA8]  }
0x30: {  	s3 =	sld [smem:$0x3FAB]  }
0x31: {  	[smem:$0x3FB4] =	sst s10  }
0x32: {  	s10 =	sld [smem:$0x3FB2];
	_ =	sdelay $0x3  }
0x33: {  	p0 =	seq.s32 s10, $0x1;
	s10 =	sld [smem:$0x3FB4];
	_ =	sdelay $0x3  }
0x34: {  	[smem:$0x3FB4] =	sst s10  }
0x35: {  	s10 =	sld [smem:$0x3FB3];
	_ =	sdelay $0x3  }
0x36: {  	p1 =	seq.s32 s10, $0x1;
	s10 =	sld [smem:$0x3FB4];
	_ =	sdelay $0x3  }
0x37: {  	[smem:$0x3FB4] =	sst s10  }
0x38: {  	s10 =	sld [smem:$0x3FB5]  }
0x39: {  	_ = 	snop;
	(pc) =	sbr.ind lr, $3  }
0x3a: {  	_ = 	snop  }
0x3b: {  	_ = 	snop  }
0x3c: {  	p2 =	seq.s32 s10, $0x1;
	s10 =	sld [smem:$0x3FB4]  }
0x3d: {  	_ =	shalt  }
0x3e: {  	_ =	shalt  }
0x3f: {  	_ =	shalt  }
0x40: {  	_ =	shalt  }
0x41: {  	_ =	shalt  }
0x42: {  	_ =	shalt  }
0x43: {  	_ =	shalt  }
0x44: {  	_ =	shalt  }
0x45: {  	_ =	shalt  }
0x46: {  	_ =	shalt  }
0x47: {  	_ =	shalt  }
0x48: {  	_ =	shalt  }
0x49: {  	_ =	shalt  }
0x4a: {  	_ =	shalt  }
0x4b: {  	_ =	shalt  }
0x4c: {  	_ =	shalt  }
0x4d: {  	_ =	shalt  }
0x4e: {  	_ =	shalt  }
0x4f: {  	_ =	shalt  }
0x50: {  	_ =	shalt  }
0x51: {  	_ =	shalt  }
0x52: {  	_ =	shalt  }
0x53: {  	_ =	shalt  }
0x54: {  	_ =	shalt  }
0x55: {  	_ =	shalt  }
0x56: {  	_ =	shalt  }
0x57: {  	_ =	shalt  }
0x58: {  	_ =	shalt  }
0x59: {  	_ =	shalt  }
0x5a: {  	_ =	shalt  }
0x5b: {  	_ =	shalt  }
0x5c: {  	_ =	shalt  }
0x5d: {  	_ =	shalt  }
0x5e: {  	_ =	shalt  }
0x5f: {  	_ =	shalt  }
0x60: {  	_ =	shalt  }
0x61: {  	_ =	shalt  }
0x62: {  	_ =	shalt  }
0x63: {  	_ =	shalt  }
0x64: {  	_ =	shalt  }
0x65: {  	_ =	shalt  }
0x66: {  	_ =	shalt  }
0x67: {  	_ =	shalt  }
0x68: {  	_ =	shalt  }
0x69: {  	_ =	shalt  }
0x6a: {  	_ =	shalt  }
0x6b: {  	_ =	shalt  }
0x6c: {  	_ =	shalt  }
0x6d: {  	_ =	shalt  }
0x6e: {  	_ =	shalt  }
0x6f: {  	_ =	shalt  }
0x70: {  	_ =	shalt  }
0x71: {  	_ =	shalt  }
0x72: {  	_ =	shalt  }
0x73: {  	_ =	shalt  }
0x74: {  	_ =	shalt  }
0x75: {  	_ =	shalt  }
0x76: {  	_ =	shalt  }
0x77: {  	_ =	shalt  }
0x78: {  	_ =	shalt  }
0x79: {  	_ =	shalt  }
0x7a: {  	_ =	shalt  }
0x7b: {  	_ =	shalt  }
0x7c: {  	_ =	shalt  }
0x7d: {  	_ =	shalt  }
0x7e: {  	_ =	shalt  }
0x7f: {  	_ =	shalt  }
0x80: {  	_ =	shalt  }
0x81: {  	_ =	shalt  }
0x82: {  	_ =	shalt  }
0x83: {  	_ =	shalt  }
0x84: {  	_ =	shalt  }
0x85: {  	_ =	shalt  }
0x86: {  	_ =	shalt  }
0x87: {  	_ =	shalt  }
.Lfunc_end0:
.L_simem_size_0:
called_computation.2_lowered:
.L_overlay_start_0:
0x88: {  	s2 =	sld [smem:$0x3FD9]  }
0x89: {  	s3 =	sld [smem:$0x3FFE];
	_ =	sdelay $0x1  }
0x8a: {  	s1 =	srdreg.scid  }
0x8b: {  	s0 =	sand.u32 $0x1, s1  }
0x8c: {  	s16 =	sshll.u32 s0, $0xA;
	s2 =	sadd.s32 s3, s2  }
0x8d: {  	s2 =	sadd.s32 s2, s16  }
0x8e: {  	[smem:$0x3FC0] =	sst s2  }
0x8f: {  	_ = 	snop  }
0x90: {  	(tm) =	ssettm $0x1  }
0x91: {  	s17 =	sld [smem:$0x3FFB];
	_ =	sdelay $0x3  }
0x92: {  	_ =	strace s17  }
0x93: {  	s2 =	sld [smem:$0x3FFC];
	_ =	sdelay $0x3  }
0x94: {  	_ =	strace s2  }
0x95: {  	s2 =	sld [smem:$0x3FFD];
	_ =	sdelay $0x3  }
0x96: {  	_ =	strace s2  }
0x97: {  	_ =	strace $0x8FFFFFFF  }
0x98: {  	s18 =	sld [smem:$0x3FDB];
	_ =	sdelay $0x1  }
0x99: {  	s19 =	simm.s32 $_scs_section_size  }
0x9a: {  	s4 =	simm.s32 $_size__tile_overlayer_lowered;
	s5 =	simm.s32 $_tile_overlayer_lowered  }
0x9b: {  	s22 =	simm.s32 $0x1BFF;
	s21 =	sshll.u32 s5, $0x1;
	s2 =	sadd.s32 s19, s18  }
0x9c: {  	s6 =	simm.s32 $0x0;
	s20 =	sshll.u32 s4, $0x1;
	s4 =	sadd.s32 s21, s2  }
0x9d: {  	[timem:s6], [sflag:s22] =	dma.local [hbm:s4], s20  }
0x9e: {  	_ =	swait.ge [sflag:s22], s20  }
0x9f: {  	s3 =	ssub.s32 $0x0, s20;
	[sflag:s22] =	ssyncset.done $0x0  }
0xa0: {  	[sflag:s22] =	ssyncadd.s32 s3;
	_ =	sdelay $0x1  }
0xa1: {  	s23 =	simm.s32 $0x1B8B  }
0xa2: {  	_ =	swait.ge [sflag:s23], $0x1  }
0xa3: {  	[sflag:s23] =	ssyncset.done $0x0  }
0xa4: {  	s25 =	simm.s32 $0x1B8E;
	s24 =	sld [smem:$0x3FFE];
	[sflag:s23] =	ssyncadd.s32 $0xFFFFFFFF  }
0xa5: {  	s26 =	simm.s32 $execute0_lowered;
	[smem:$0x3FD2] =	sst s25  }
0xa6: {  	s4 =	sshll.u32 s26, $0x1;
	_ =	strace $0x8000004C;
	[dreg:$0x1] =	wrdreg $0xFFFFFFFF  }
0xa7: {  	s28 =	simm.s32 $_size_execute0_lowered;
	s2 =	sadd.s32 s2, s4;
	[dreg:$0x0] =	wrdreg $0x0  }
0xa8: {  	s4 =	sshll.u32 s28, $0x1;
	[dreg:$0x2] =	wrdreg s2  }
0xa9: {  	[dreg:$0x3] =	wrdreg s4  }
0xaa: {  	[dreg:$0x4] =	wrdreg $0xC0  }
0xab: {  	_ =	task [dreg:s6], $0x5FFFF  }
0xac: {  	[dreg:$0x1] =	wrdreg $0xFFFFFFFF  }
0xad: {  	[dreg:$0x0] =	wrdreg $0x60  }
0xae: {  	[dreg:$0x2] =	wrdreg s24  }
0xaf: {  	[dreg:$0x3] =	wrdreg $0x91000  }
0xb0: {  	[dreg:$0x4] =	wrdreg $0x9  }
0xb1: {  	_ =	task.clear_ibuf [dreg:s6], $0x5FFFF;
	_ =	strace $0x9000004C  }
0xb2: {  	s29 =	simm.s32 $0x9;
	_ =	strace $0x8000004E  }
0xb3: {  	_ =	swait.ge [sflag:s29], $0x1  }
0xb4: {  	[sflag:s29] =	ssyncadd.s32 $0xFFFFFFFF  }
0xb5: {  	_ =	strace $0x9000004E  }
0xb6: {  	_ =	sfence  }
0xb7: {  	s30 =	sld [smem:$0x0];
	_ =	sdelay $0x2  }
0xb8: {  	s31 =	sshll.u32 s1, $0xD;
	s1 =	sshrl.u32 s1, $0x2  }
0xb9: {  	s3 =	sand.u32 $0x4000, s31;
	s1 =	sadd.s32 s1, s30  }
0xba: {  	s0 =	sor.u32 s3, s0;
	s1 =	sshll.u32 s1, $0x11  }
0xbb: {  	s0 =	sor.u32 s1, s0  }
0xbc: {  	s0 =	sadd.s32 $0x8F2B, s0  }
0xbd: {  	[sflag:s0] =	ssyncadd.remote.s32 $0x1  }
0xbe: {  	_ =	sfence.sel $0xFFFF  }
0xbf: {  	[dreg:$0x0] =	wrdreg $0xFFFFFFFF;
	(pc) =	sbr.abs _section_cstart, $3  }
0xc0: {  	[dreg:$0x1] =	wrdreg $0xFFFFFFFF  }
0xc1: {  	_ =	task.clear_ibuf [dreg:s6], $0x2FFFF;
	_ =	strace $0x9FFFFFFF  }
0xc2: {  	(tm) =	ssettm $0x7FFFFFFF  }
0xc3: {  	_ =	shalt  }
tec
execute0_lowered:
.L_overlay_start_1:
0x0: {  	(tag) =	ssettag $0x1  }
0x1: {  	s5 =	rddreg [dreg:$0x0]  }
0x2: {  	s2 =	rddreg [dreg:$0x1]  }
0x3: {  	s0 =	rddreg [dreg:$0x2]  }
0x4: {  	s3 =	srdreg.scid;
	s1 =	stileid.u32  }
0x5: {  	s14 =	simm.s32 $0x80;
	s15 =	simm.s32 $0x5100;
	s16 =	simm.s32 $0x7100  }
0x6: {  	s17 =	simm.s32 $0x1;
	s18 =	simm.s32 $0x2;
	s19 =	simm.s32 $0x0  }
0x7: {  	s6 =	sand.u32 $0x1, s3;
	s4 =	sshll.u32 s1, $0x1;
	s7 =	smul.u32 $0xA000, s1  }
0x8: {  	s3 =	simm.s32 $0x0;
	s11 =	sadd.s32 $0x2A800, s5;
	s31 =	sshll.u32 s1, $0x6  }
0x9: {  	s4 =	sor.u32 s6, s4;
	s8 =	smul.u32 $0xA0000, s6;
	[smem:$0x7FF] =	sst s3  }
0xa: {  	s10 =	ssub.s32 $0x2, s6;
	p0 =	seq.s32 s6, $0x1;
	s9 =	smul.u32 $0x500, s4  }
0xb: {  	_ =	strace $0x8000004D;
	s4 =	sadd.s32 $0x16800, s5;
	s8 =	sadd.s32 s7, s8  }
0xc: {  	s30 =	sshrl.u32 s10, $0x1;
	s12 =	sadd.s32 s7, s2;
	s8 =	sshrl.u32 s8, $0x3  }
0xd: {  	s13 =	sshrl.u32 s7, $0x3;
	s9 =	sadd.s32 s9, s5;
	s8 =	sadd.s32 s8, s5  }
0xe: {  	s5 =	sadd.s32 $0x1E00, s9;
	s6 =	sadd.s32 $0xC000, s9;
	s9 =	smov.u32 s4  }
0xf: {  	s10 =	ssub.s32 s10, s30;
	s7 =	sadd.s32 $0x3E800, s8;
	s9 =	smov.u32 @p0 s11  }
0x10: {  	s8 =	smax.u32 s10, $0x1;
	s10 =	sor.u32 $0x1C03, s31;
	s11 =	sshrl.u32 s12, $0x3  }
0x11: {  	s12 =	simm.s32 $0x3;
	s9 =	sadd.s32 s9, s13;
	s13 =	simm.s32 $0x2900  }
.LBB2_1:
0x12: {  	[spmem:s11], [sflag:s10] =	dma.local [hbm:s9], $0x1400  }
0x13: {  	_ =	swait.ge [sflag:s12], $0x1400  }
0x14: {  	[sflag:s12] =	ssyncset.done $0x0  }
0x15: {  	[sflag:s12] =	ssyncadd.s32 $0xFFFFEC00  }
0x16: {  	[tilespmem:s3], [sflag:$0x3] =	stream.linear.gather [hbm4b:s5+s3], $0x2900, $0x38;
	[tilespmem:$0x13100] =	vst v63  }
0x17: {  	_ =	swait.ge [sflag:s12], $0x2900  }
0x18: {  	[sflag:s12] =	ssyncset.done $0x0  }
0x19: {  	[sflag:s12] =	ssyncadd.s32 $0xFFFFD700  }
0x1a: {  	[tilespmem:s13], [sflag:$0x3] =	stream.linear.gather [hbm4b:s6+s3], $0x2800, $0x38;
	[tilespmem:$0x13100] =	vst v63  }
0x1b: {  	_ =	swait.ge [sflag:s12], $0x2800  }
0x1c: {  	[sflag:s12] =	ssyncset.done $0x0  }
0x1d: {  	[sflag:s12] =	ssyncadd.s32 $0xFFFFD800  }
0x1e: {  	[bflag:$0x0] =	sbarrier.arrive $0xFFFF  }
0x1f: {  	[tilespmem:s15], [sflag:$0x1] =	stream.indirect.gather [hbm4b:s4+s14], $0x40, s3, s14, $0xb8;
	[tilespmem:$0x13100] =	vst v63  }
0x20: {  	_ = 	snop  }
0x21: {  	[tilespmem:s16], [sflag:$0x2] =	stream.indirect.gather [hbm4b:s4+s14], $0x40, s14, s14, $0xb8;
	[tilespmem:$0x13100] =	vst v63  }
0x22: {  	_ =	swait.ge [sflag:s17], $0x2000  }
0x23: {  	[sflag:s17] =	ssyncset.done $0x0  }
0x24: {  	s20 =	simm.s32 $0x2900;
	[sflag:s17] =	ssyncadd.s32 $0xFFFFE000  }
0x25: {  	[spmem:s2] =	stream.indirect.scatter.add.f32 [tilespmem:s15], [sflag:$0x3], $0x40, s20, s14, $0xb8;
	[tilespmem:$0x13100] =	vst v63  }
0x26: {  	_ =	swait.ge [sflag:s12], $0x2000  }
0x27: {  	[sflag:s12] =	ssyncset.done $0x0  }
0x28: {  	s30 =	simm.s32 $0x100;
	[sflag:s12] =	ssyncadd.s32 $0xFFFFE000  }
0x29: {  	[tilespmem:s15], [sflag:$0x1] =	stream.indirect.gather [hbm4b:s4+s14], $0x40, s30, s14, $0xb8;
	[tilespmem:$0x13100] =	vst v63  }
0x2a: {  	_ =	swait.ge [sflag:s18], $0x2000  }
0x2b: {  	[sflag:s18] =	ssyncset.done $0x0  }
0x2c: {  	s31 =	simm.s32 $0x2980;
	[sflag:s18] =	ssyncadd.s32 $0xFFFFE000  }
0x2d: {  	[spmem:s2] =	stream.indirect.scatter.add.f32 [tilespmem:s16], [sflag:$0x3], $0x40, s31, s14, $0xb8;
	[tilespmem:$0x13100] =	vst v63  }
0x2e: {  	_ =	swait.ge [sflag:s12], $0x2000  }
0x2f: {  	[sflag:s12] =	ssyncset.done $0x0  }
0x30: {  	s21 =	simm.s32 $0x180;
	s20 =	simm.s32 $0x400;
	[sflag:s12] =	ssyncadd.s32 $0xFFFFE000  }
.LBB2_2:
0x31: {  	[tilespmem:s16], [sflag:$0x2] =	stream.indirect.gather [hbm4b:s4+s14], $0x40, s21, s14, $0xb8;
	[tilespmem:$0x13100] =	vst v63  }
0x32: {  	s21 =	smov.u32 s20  }
0x33: {  	p0 =	sne.s32 s20, $0x9C00;
	s20 =	sadd.s32 $0x400, s20;
	_ =	swait.ge [sflag:s17], $0x2000  }
0x34: {  	s21 =	sshra.s32 s21, $0x2;
	[sflag:s17] =	ssyncset.done $0x0  }
0x35: {  	s22 =	sadd.s32 $0x2900, s21;
	[sflag:s17] =	ssyncadd.s32 $0xFFFFE000  }
0x36: {  	[spmem:s2] =	stream.indirect.scatter.add.f32 [tilespmem:s15], [sflag:$0x3], $0x40, s22, s14, $0xb8;
	[tilespmem:$0x13100] =	vst v63  }
0x37: {  	_ =	swait.ge [sflag:s12], $0x2000  }
0x38: {  	[sflag:s12] =	ssyncset.done $0x0  }
0x39: {  	s22 =	sadd.s32 $0x100, s21;
	[sflag:s12] =	ssyncadd.s32 $0xFFFFE000  }
0x3a: {  	[tilespmem:s15], [sflag:$0x1] =	stream.indirect.gather [hbm4b:s4+s14], $0x40, s22, s14, $0xb8;
	[tilespmem:$0x13100] =	vst v63  }
0x3b: {  	_ =	swait.ge [sflag:s18], $0x2000  }
0x3c: {  	[sflag:s18] =	ssyncset.done $0x0  }
.Ltmp0:
0x3d: {  	s22 =	sadd.s32 $0x2980, s21;
	[sflag:s18] =	ssyncadd.s32 $0xFFFFE000;
	(pc) =	sbr.rel @p0 .LBB2_2-.Ltmp0, $4  }
0x3e: {  	[spmem:s2] =	stream.indirect.scatter.add.f32 [tilespmem:s16], [sflag:$0x3], $0x40, s22, s14, $0xb8;
	[tilespmem:$0x13100] =	vst v63  }
0x3f: {  	_ =	swait.ge [sflag:s12], $0x2000  }
0x40: {  	[sflag:s12] =	ssyncset.done $0x0  }
0x41: {  	s21 =	sadd.s32 $0x180, s21;
	[sflag:s12] =	ssyncadd.s32 $0xFFFFE000  }
0x42: {  	[tilespmem:s16], [sflag:$0x2] =	stream.indirect.gather [hbm4b:s4+s14], $0x40, s21, s14, $0xb8;
	[tilespmem:$0x13100] =	vst v63  }
0x43: {  	_ =	swait.ge [sflag:s17], $0x2000  }
0x44: {  	[sflag:s17] =	ssyncset.done $0x0  }
0x45: {  	[sflag:s17] =	ssyncadd.s32 $0xFFFFE000  }
0x46: {  	_ =	swait.ge [sflag:s18], $0x2000  }
0x47: {  	s19 =	sadd.s32 $0x1, s19;
	[sflag:s18] =	ssyncset.done $0x0  }
0x48: {  	p0 =	sne.s32 s19, s8;
	[sflag:s18] =	ssyncadd.s32 $0xFFFFE000  }
.Ltmp1:
0x49: {  	[bflag:$0x0] =	sbarrier.arrive $0xFFFF;
	(pc) =	sbr.rel @p0 .LBB2_1-.Ltmp1, $4  }
0x4a: {  	[hbm:s7], [sflag:s10] =	dma.local [spmem:s11], $0x1400  }
0x4b: {  	_ =	swait.ge [sflag:s12], $0x1400  }
0x4c: {  	[sflag:s12] =	ssyncset.done $0x0  }
0x4d: {  	[sflag:s12] =	ssyncadd.s32 $0xFFFFEC00  }
0x4e: {  	_ =	sfence.sel $0x180000  }
0x4f: {  	[bflag:$0x0] =	sbarrier.arrive $0xFFFF  }
0x50: {  	p0 =	sne.s32 s1, $0x0;
	_ =	strace $0x9000004D  }
0x51: {  	s0 =	sadd.s32 @!p0 $0x100000, s0;
	[bflag:$0x2] =	sbarrier.arrive $0xFFFF  }
0x52: {  	[sflag:s0] =	ssyncadd.tile.s32 @!p0 $0x1;
	_ =	shalt  }
.Lfunc_end2:
_tile_overlayer_lowered:
.L_overlay_start_2:
0x53: {  	(tag) =	ssettag $0x2  }
0x54: {  	s0 =	rddreg [dreg:$0x0];
	s2 =	stileid.u32  }
0x55: {  	s1 =	rddreg [dreg:$0x1];
	p0 =	sne.s32 s2, $0x0  }
0x56: {  	s3 =	rddreg [dreg:$0x2];
	[bflag:$0x3] =	sbarrier.arrive $0xFFFF;
	s2 =	simm.s32 @!p0 $0x1C03  }
0x57: {  	[timem:s3], [sflag:s2] =	dma.local @!p0 [hbm:s0], s1  }
0x58: {  	s0 =	simm.s32 @!p0 $0x3  }
0x59: {  	_ =	swait.ge @!p0 [sflag:s0], s1  }
0x5a: {  	s1 =	ssub.s32 @!p0 $0x0, s1;
	[sflag:s0] =	ssyncset.done @!p0 $0x0  }
0x5b: {  	[sflag:s0] =	ssyncadd.s32 @!p0 s1  }
0x5c: {  	[bflag:$0x3] =	sbarrier.arrive $0xFFFF  }
0x5d: {  	_ =	shalt  }

// kernel: kernel.9.cloned.1.call-start
scs
__scs_entry_jumppad:
0x0: {  	(pc) =	sbr.rel $0x88, $3  }
0x1: {  	(tag) =	ssettag $0x0;
	lr =	simm.s32 $0x1  }
0x2: {  	[smem:$0x3F99] =	sst lr;
	_ =	strace $0xD0000000  }
0x3: {  	_ = 	snop  }
0x4: {  	_ = 	snop  }
0x5: {  	_ = 	snop  }
0x6: {  	_ = 	snop  }
0x7: {  	_ = 	snop  }
__scs_overlays_trampoline_lowered:
0x8: {  	[smem:$0x3FA8] =	sst s0  }
0x9: {  	[smem:$0x3FA9] =	sst s1  }
0xa: {  	[smem:$0x3FAA] =	sst s2  }
0xb: {  	[smem:$0x3FAB] =	sst s3  }
0xc: {  	[smem:$0x3FAC] =	sst s4  }
0xd: {  	[smem:$0x3FAD] =	sst s5  }
0xe: {  	[smem:$0x3FAE] =	sst s6  }
0xf: {  	[smem:$0x3FAF] =	sst s7  }
0x10: {  	[smem:$0x3FB0] =	sst s8  }
0x11: {  	[smem:$0x3FB1] =	sst s9;
	s0 =	simm.s32 @!p0 $0x0  }
0x12: {  	s1 =	sld [smem:$0x3F97];
	s0 =	simm.s32 @p0 $0x1  }
0x13: {  	[smem:$0x3FB2] =	sst s0;
	s0 =	simm.s32 @!p1 $0x0  }
0x14: {  	s2 =	sld [smem:$0x3F96];
	s0 =	simm.s32 @p1 $0x1  }
0x15: {  	[smem:$0x3FB3] =	sst s0;
	s0 =	simm.s32 @!p2 $0x0  }
0x16: {  	s3 =	sld [smem:$0x3FDB];
	s0 =	simm.s32 @p2 $0x1  }
0x17: {  	s4 =	simm.s32 $0x1BF5;
	[smem:$0x3FB5] =	sst s0  }
0x18: {  	s0 =	sld [smem:$0x3F98];
	_ =	swait.ge [sflag:s4], $0x0  }
0x19: {  	s7 =	sld [smem:$0x3F99]  }
0x1a: {  	s8 =	sadd.s32 $0xFFFFE003, lr  }
0x1b: {  	s9 =	sadd.s32 $0xFFFFFEF7, lr;
	s5 =	simm.s32 $0xFFFFFFFF;
	p2 =	slt.u32 s8, $0xFFFFF086  }
0x1c: {  	p1 =	slt.u32 s9, $0xF7A;
	s5 =	simm.s32 @!p2 $0x0  }
0x1d: {  	s5 =	simm.s32 @p1 $0x1;
	p0 =	seq.s32 s7, s2  }
0x1e: {  	s7 =	smul.u32 @!p0 $0xF7A, s2;
	p2 =	seq.s32 @!p0 s5, $0x0  }
0x1f: {  	s9 =	smul.u32 $0xF7A, s1;
	s8 =	simm.s32 @!p0 $0x1BF5;
	p2 =	por !p2, p0  }
0x20: {  	[sflag:s8] =	ssyncset.s32 @!p0 $0xFFFFF086;
	s6 =	sadd.s32 @!p0 s3, s7;
	s7 =	simm.s32 @!p0 $0x108  }
0x21: {  	s3 =	sadd.s32 s3, s9;
	s6 =	sadd.s32 @!p0 $0x88, s6;
	s7 =	simm.s32 @p2 $0x1082  }
0x22: {  	[simem:s7], [sflag:s8] =	dma.local @!p0 [hbm:s6], $0xF7A  }
0x23: {  	s9 =	sor.u32 $0xD0000000, s2;
	s6 =	simm.s32 $0x108;
	_ =	swait.ge @!p0 [sflag:s8], $0x0  }
0x24: {  	s3 =	sadd.s32 $0x88, s3;
	s6 =	simm.s32 @!p1 $0x1082;
	[sflag:s4] =	ssyncset.s32 $0xFFFFF086  }
0x25: {  	[simem:s6], [sflag:s4] =	dma.local [hbm:s3], $0xF7A  }
0x26: {  	[smem:$0x3F99] =	sst s1;
	(tag) =	ssettag s2;
	_ =	strace s9  }
0x27: {  	s1 =	sld [smem:$0x3FA9]  }
0x28: {  	s2 =	sld [smem:$0x3FAA]  }
0x29: {  	s4 =	sld [smem:$0x3FAC]  }
0x2a: {  	p0 =	seq.s32 s5, $0x0;
	s5 =	sld [smem:$0x3FAD]  }
0x2b: {  	s6 =	sld [smem:$0x3FAE]  }
0x2c: {  	s7 =	sld [smem:$0x3FAF]  }
0x2d: {  	s3 =	simm.s32 $0x108;
	s8 =	sld [smem:$0x3FB0]  }
0x2e: {  	s3 =	simm.s32 @!p0 $0x1082;
	s9 =	sld [smem:$0x3FB1]  }
0x2f: {  	lr =	sadd.s32 s0, s3;
	s0 =	sld [smem:$0x3FA8]  }
0x30: {  	s3 =	sld [smem:$0x3FAB]  }
0x31: {  	[smem:$0x3FB4] =	sst s10  }
0x32: {  	s10 =	sld [smem:$0x3FB2];
	_ =	sdelay $0x3  }
0x33: {  	p0 =	seq.s32 s10, $0x1;
	s10 =	sld [smem:$0x3FB4];
	_ =	sdelay $0x3  }
0x34: {  	[smem:$0x3FB4] =	sst s10  }
0x35: {  	s10 =	sld [smem:$0x3FB3];
	_ =	sdelay $0x3  }
0x36: {  	p1 =	seq.s32 s10, $0x1;
	s10 =	sld [smem:$0x3FB4];
	_ =	sdelay $0x3  }
0x37: {  	[smem:$0x3FB4] =	sst s10  }
0x38: {  	s10 =	sld [smem:$0x3FB5]  }
0x39: {  	_ = 	snop;
	(pc) =	sbr.ind lr, $3  }
0x3a: {  	_ = 	snop  }
0x3b: {  	_ = 	snop  }
0x3c: {  	p2 =	seq.s32 s10, $0x1;
	s10 =	sld [smem:$0x3FB4]  }
0x3d: {  	_ =	shalt  }
0x3e: {  	_ =	shalt  }
0x3f: {  	_ =	shalt  }
0x40: {  	_ =	shalt  }
0x41: {  	_ =	shalt  }
0x42: {  	_ =	shalt  }
0x43: {  	_ =	shalt  }
0x44: {  	_ =	shalt  }
0x45: {  	_ =	shalt  }
0x46: {  	_ =	shalt  }
0x47: {  	_ =	shalt  }
0x48: {  	_ =	shalt  }
0x49: {  	_ =	shalt  }
0x4a: {  	_ =	shalt  }
0x4b: {  	_ =	shalt  }
0x4c: {  	_ =	shalt  }
0x4d: {  	_ =	shalt  }
0x4e: {  	_ =	shalt  }
0x4f: {  	_ =	shalt  }
0x50: {  	_ =	shalt  }
0x51: {  	_ =	shalt  }
0x52: {  	_ =	shalt  }
0x53: {  	_ =	shalt  }
0x54: {  	_ =	shalt  }
0x55: {  	_ =	shalt  }
0x56: {  	_ =	shalt  }
0x57: {  	_ =	shalt  }
0x58: {  	_ =	shalt  }
0x59: {  	_ =	shalt  }
0x5a: {  	_ =	shalt  }
0x5b: {  	_ =	shalt  }
0x5c: {  	_ =	shalt  }
0x5d: {  	_ =	shalt  }
0x5e: {  	_ =	shalt  }
0x5f: {  	_ =	shalt  }
0x60: {  	_ =	shalt  }
0x61: {  	_ =	shalt  }
0x62: {  	_ =	shalt  }
0x63: {  	_ =	shalt  }
0x64: {  	_ =	shalt  }
0x65: {  	_ =	shalt  }
0x66: {  	_ =	shalt  }
0x67: {  	_ =	shalt  }
0x68: {  	_ =	shalt  }
0x69: {  	_ =	shalt  }
0x6a: {  	_ =	shalt  }
0x6b: {  	_ =	shalt  }
0x6c: {  	_ =	shalt  }
0x6d: {  	_ =	shalt  }
0x6e: {  	_ =	shalt  }
0x6f: {  	_ =	shalt  }
0x70: {  	_ =	shalt  }
0x71: {  	_ =	shalt  }
0x72: {  	_ =	shalt  }
0x73: {  	_ =	shalt  }
0x74: {  	_ =	shalt  }
0x75: {  	_ =	shalt  }
0x76: {  	_ =	shalt  }
0x77: {  	_ =	shalt  }
0x78: {  	_ =	shalt  }
0x79: {  	_ =	shalt  }
0x7a: {  	_ =	shalt  }
0x7b: {  	_ =	shalt  }
0x7c: {  	_ =	shalt  }
0x7d: {  	_ =	shalt  }
0x7e: {  	_ =	shalt  }
0x7f: {  	_ =	shalt  }
0x80: {  	_ =	shalt  }
0x81: {  	_ =	shalt  }
0x82: {  	_ =	shalt  }
0x83: {  	_ =	shalt  }
0x84: {  	_ =	shalt  }
0x85: {  	_ =	shalt  }
0x86: {  	_ =	shalt  }
0x87: {  	_ =	shalt  }
.Lfunc_end0:
.L_simem_size_0:
called_computation_lowered:
.L_overlay_start_0:
0x88: {  	s2 =	sld [smem:$0x3FD9]  }
0x89: {  	s3 =	sld [smem:$0x3FFE];
	_ =	sdelay $0x1  }
0x8a: {  	s1 =	srdreg.scid  }
0x8b: {  	s0 =	sand.u32 $0x1, s1  }
0x8c: {  	s17 =	sshll.u32 s0, $0xA;
	s2 =	sadd.s32 s3, s2  }
0x8d: {  	s2 =	sadd.s32 s2, s17  }
0x8e: {  	[smem:$0x3FC0] =	sst s2  }
0x8f: {  	_ = 	snop  }
0x90: {  	s2 =	sld [smem:$0x3FD0];
	(tm) =	ssettm $0x1  }
0x91: {  	s18 =	sld [smem:$0x3FFB];
	_ =	sdelay $0x3  }
0x92: {  	_ =	strace s18  }
0x93: {  	s3 =	sld [smem:$0x3FFC];
	_ =	sdelay $0x3  }
0x94: {  	_ =	strace s3  }
0x95: {  	s3 =	sld [smem:$0x3FFD];
	_ =	sdelay $0x3  }
0x96: {  	_ =	strace s3  }
0x97: {  	_ =	strace $0x8FFFFFFF  }
0x98: {  	s19 =	sld [smem:$0x3FDB];
	_ =	sdelay $0x1  }
0x99: {  	s4 =	simm.s32 $_scs_section_size  }
0x9a: {  	s5 =	simm.s32 $_size__tile_overlayer_lowered;
	s6 =	simm.s32 $_tile_overlayer_lowered  }
0x9b: {  	s22 =	simm.s32 $0x1BFF;
	s21 =	sshll.u32 s6, $0x1;
	s3 =	sadd.s32 s4, s19  }
0x9c: {  	s7 =	simm.s32 $0x0;
	s20 =	sshll.u32 s5, $0x1;
	s5 =	sadd.s32 s21, s3  }
0x9d: {  	[timem:s7], [sflag:s22] =	dma.local [hbm:s5], s20  }
0x9e: {  	_ =	swait.ge [sflag:s22], s20  }
0x9f: {  	s4 =	ssub.s32 $0x0, s20;
	[sflag:s22] =	ssyncset.done $0x0  }
0xa0: {  	[sflag:s22] =	ssyncadd.s32 s4;
	_ =	sdelay $0x1  }
0xa1: {  	s23 =	simm.s32 $0x1B8B  }
0xa2: {  	_ =	swait.ge [sflag:s23], $0x1  }
0xa3: {  	[sflag:s23] =	ssyncset.done $0x0  }
0xa4: {  	s25 =	simm.s32 $0x1B8E;
	s24 =	sld [smem:$0x3FFE];
	[sflag:s23] =	ssyncadd.s32 $0xFFFFFFFF  }
0xa5: {  	s26 =	simm.s32 $execute0_lowered;
	[smem:$0x3FD2] =	sst s25  }
0xa6: {  	s5 =	sshll.u32 s26, $0x1;
	_ =	strace $0x80000046;
	[dreg:$0x1] =	wrdreg $0xFFFFFFFF  }
0xa7: {  	s28 =	simm.s32 $_size_execute0_lowered;
	s3 =	sadd.s32 s3, s5;
	[dreg:$0x0] =	wrdreg $0x0  }
0xa8: {  	s5 =	sshll.u32 s28, $0x1;
	[dreg:$0x2] =	wrdreg s3  }
0xa9: {  	[dreg:$0x3] =	wrdreg s5  }
0xaa: {  	[dreg:$0x4] =	wrdreg $0xC0  }
0xab: {  	_ =	task [dreg:s7], $0x5FFFF  }
0xac: {  	[dreg:$0x1] =	wrdreg $0xFFFFFFFF  }
0xad: {  	[dreg:$0x0] =	wrdreg $0x60  }
0xae: {  	[dreg:$0x2] =	wrdreg s24  }
0xaf: {  	[dreg:$0x3] =	wrdreg s2  }
0xb0: {  	[dreg:$0x4] =	wrdreg $0x28800  }
0xb1: {  	[dreg:$0x5] =	wrdreg $0x9  }
0xb2: {  	_ =	task.clear_ibuf [dreg:s7], $0x6FFFF;
	_ =	strace $0x90000046  }
0xb3: {  	s29 =	simm.s32 $0x9;
	_ =	strace $0x80000048  }
0xb4: {  	_ =	swait.ge [sflag:s29], $0x1  }
0xb5: {  	[sflag:s29] =	ssyncadd.s32 $0xFFFFFFFF  }
0xb6: {  	_ =	strace $0x90000048  }
0xb7: {  	_ =	sfence  }
0xb8: {  	s30 =	sld [smem:$0x0];
	_ =	sdelay $0x2  }
0xb9: {  	s31 =	sshll.u32 s1, $0xD;
	s1 =	sshrl.u32 s1, $0x2  }
0xba: {  	s3 =	sand.u32 $0x4000, s31;
	s1 =	sadd.s32 s1, s30  }
0xbb: {  	s0 =	sor.u32 s3, s0;
	s1 =	sshll.u32 s1, $0x11  }
0xbc: {  	s0 =	sor.u32 s1, s0  }
0xbd: {  	s0 =	sadd.s32 $0x8F2B, s0  }
0xbe: {  	[sflag:s0] =	ssyncadd.remote.s32 $0x1  }
0xbf: {  	_ =	sfence.sel $0xFFFF  }
0xc0: {  	[dreg:$0x0] =	wrdreg $0xFFFFFFFF;
	(pc) =	sbr.abs _section_cstart, $3  }
0xc1: {  	[dreg:$0x1] =	wrdreg $0xFFFFFFFF  }
0xc2: {  	_ =	task.clear_ibuf [dreg:s7], $0x2FFFF;
	_ =	strace $0x9FFFFFFF  }
0xc3: {  	(tm) =	ssettm $0x7FFFFFFF  }
tec
execute0_lowered:
.L_overlay_start_1:
0x0: {  	(tag) =	ssettag $0x1  }
0x1: {  	s5 =	rddreg [dreg:$0x0]  }
0x2: {  	s1 =	srdreg.scid;
	s2 =	rddreg [dreg:$0x1]  }
0x3: {  	s0 =	stileid.u32;
	s3 =	rddreg [dreg:$0x2];
	s4 =	simm.s32 $0x0  }
0x4: {  	s13 =	simm.s32 $0x80;
	s14 =	simm.s32 $0x0;
	s6 =	sand.u32 $0x1, s1  }
0x5: {  	s30 =	sshll.u32 s0, $0x1;
	s8 =	smul.u32 $0x280, s0;
	[smem:$0x7FF] =	sst s4  }
0x6: {  	s31 =	sshll.u32 s0, $0x6;
	s1 =	sor.u32 s6, s30;
	s9 =	smul.u32 $0x2800, s6  }
0x7: {  	s6 =	ssub.s32 $0x2, s6;
	s7 =	smul.u32 $0x500, s1;
	s1 =	rddreg [dreg:$0x3]  }
0x8: {  	_ =	strace $0x80000047;
	s10 =	sshrl.u32 s8, $0x3;
	s11 =	sshrl.u32 s6, $0x1  }
0x9: {  	s12 =	sadd.s32 s8, s3;
	s9 =	sadd.s32 s8, s9;
	s10 =	sadd.s32 s10, s5  }
0xa: {  	s11 =	ssub.s32 s6, s11;
	s6 =	sor.u32 $0x1C01, s31;
	s9 =	sshrl.u32 s9, $0x3  }
0xb: {  	s7 =	sadd.s32 s7, s5;
	s9 =	sadd.s32 s9, s5;
	s5 =	sadd.s32 $0x16200, s10  }
0xc: {  	s7 =	sadd.s32 $0xC000, s7;
	s10 =	sshrl.u32 s12, $0x3;
	s12 =	simm.s32 $0x2800  }
0xd: {  	s8 =	sadd.s32 $0x16800, s9;
	s9 =	smax.u32 s11, $0x1;
	s11 =	simm.s32 $0x1  }
.LBB2_1:
0xe: {  	[spmem:s10], [sflag:s6] =	dma.local [hbm:s5], $0x50  }
0xf: {  	_ =	swait.ge [sflag:s11], $0x50  }
0x10: {  	[sflag:s11] =	ssyncset.done $0x0  }
0x11: {  	[sflag:s11] =	ssyncadd.s32 $0xFFFFFFB0  }
0x12: {  	[tilespmem:s4], [sflag:$0x1] =	stream.linear.gather [hbm4b:s7+s4], $0x2800, $0x38;
	[tilespmem:$0x2B00] =	vst v63  }
0x13: {  	_ =	swait.ge [sflag:s11], $0x2800  }
0x14: {  	[sflag:s11] =	ssyncset.done $0x0  }
0x15: {  	[sflag:s11] =	ssyncadd.s32 $0xFFFFD800  }
0x16: {  	[tilespmem:s12], [sflag:$0x1] =	stream.linear.gather [hbm4b:s2+s4], $0x80, $0x38;
	[tilespmem:$0x2B00] =	vst v63  }
0x17: {  	_ =	swait.ge [sflag:s11], $0x80  }
0x18: {  	[sflag:s11] =	ssyncset.done $0x0  }
0x19: {  	[sflag:s11] =	ssyncadd.s32 $0xFFFFFF80  }
0x1a: {  	s15 =	simm.s32 $0x0;
	[bflag:$0x0] =	sbarrier.arrive $0xFFFF  }
0x1b: {  	[spmem:s3] =	stream.indirect.scatter.add.f32 [tilespmem:s12], [sflag:$0x1], $0x1, s15, s13, $0xb8;
	[tilespmem:$0x2B00] =	vst v63  }
0x1c: {  	_ =	swait.ge [sflag:s11], $0x80  }
0x1d: {  	s15 =	simm.s32 $0x200;
	[sflag:s11] =	ssyncset.done $0x0  }
.LBB2_2:
0x1e: {  	s16 =	sshra.s32 s15, $0x2;
	[sflag:s11] =	ssyncadd.s32 $0xFFFFFF80;
	p0 =	sne.s32 s15, $0x9E00  }
0x1f: {  	[spmem:s3] =	stream.indirect.scatter.add.f32 [tilespmem:s12], [sflag:$0x1], $0x1, s16, s13, $0xb8;
	[tilespmem:$0x2B00] =	vst v63  }
.Ltmp0:
0x20: {  	_ = 	snop;
	(pc) =	sbr.rel @p0 .LBB2_2-.Ltmp0, $4  }
0x21: {  	_ = 	snop  }
0x22: {  	s15 =	sadd.s32 $0x200, s15  }
0x23: {  	_ =	swait.ge [sflag:s11], $0x80  }
0x24: {  	[sflag:s11] =	ssyncset.done $0x0  }
0x25: {  	s14 =	sadd.s32 $0x1, s14  }
0x26: {  	[sflag:s11] =	ssyncadd.s32 $0xFFFFFF80;
	p0 =	sne.s32 s14, s9  }
.Ltmp1:
0x27: {  	[bflag:$0x0] =	sbarrier.arrive $0xFFFF;
	(pc) =	sbr.rel @p0 .LBB2_1-.Ltmp1, $4  }
0x28: {  	[hbm:s8], [sflag:s6] =	dma.local [spmem:s10], $0x50  }
0x29: {  	_ =	swait.ge [sflag:s11], $0x50  }
0x2a: {  	[sflag:s11] =	ssyncset.done $0x0  }
0x2b: {  	[sflag:s11] =	ssyncadd.s32 $0xFFFFFFB0  }
0x2c: {  	_ =	sfence.sel $0x180000  }
0x2d: {  	[bflag:$0x0] =	sbarrier.arrive $0xFFFF  }
0x2e: {  	p0 =	sne.s32 s0, $0x0;
	_ =	strace $0x90000047  }
0x2f: {  	s0 =	sadd.s32 @!p0 $0x100000, s1;
	[bflag:$0x2] =	sbarrier.arrive $0xFFFF  }
0x30: {  	[sflag:s0] =	ssyncadd.tile.s32 @!p0 $0x1;
	_ =	shalt  }
.Lfunc_end2:
_tile_overlayer_lowered:
.L_overlay_start_2:
0x31: {  	(tag) =	ssettag $0x2  }
0x32: {  	s0 =	rddreg [dreg:$0x0];
	s2 =	stileid.u32  }
0x33: {  	s1 =	rddreg [dreg:$0x1];
	p0 =	sne.s32 s2, $0x0  }
0x34: {  	s3 =	rddreg [dreg:$0x2];
	[bflag:$0x3] =	sbarrier.arrive $0xFFFF;
	s2 =	simm.s32 @!p0 $0x1C01  }
0x35: {  	[timem:s3], [sflag:s2] =	dma.local @!p0 [hbm:s0], s1  }
0x36: {  	s0 =	simm.s32 @!p0 $0x1  }
0x37: {  	_ =	swait.ge @!p0 [sflag:s0], s1  }
0x38: {  	s1 =	ssub.s32 @!p0 $0x0, s1;
	[sflag:s0] =	ssyncset.done @!p0 $0x0  }
0x39: {  	[sflag:s0] =	ssyncadd.s32 @!p0 s1  }
0x3a: {  	[bflag:$0x3] =	sbarrier.arrive $0xFFFF  }
0x3b: {  	_ =	shalt  }

</sc_bundles>
